<compile_context>
chip_gen: v7x
topology: tpu7x:2x2x1
jax: 0.10.2.dev20260603
libtpu: 0.0.44.dev20260713+nightly
codegen_flags: <defaults>
</compile_context>

<pallas_src>
import functools

import jax
import jax.numpy as jnp
from jax import lax
from jax.experimental import pallas as pl
from jax.experimental.pallas import tpu as pltpu
from jax.experimental.pallas import tpu_sc as plsc

N = 10000
D = 128
E = 320000
NSUB = 16
NCORE = 2
NW = NCORE * NSUB
CHUNK = 128
CH_PER_SUB = 80
E_PAD = NW * CH_PER_SUB * CHUNK
N_PAD = 10112
ROWS_PER_SUB = N_PAD // NSUB
NBUF = 2
PHASES = 2
CH_PHASE = CH_PER_SUB // PHASES

_mesh = plsc.VectorSubcoreMesh(core_axis_name="c", subcore_axis_name="s")


@functools.partial(
    pl.kernel,
    out_type=jax.ShapeDtypeStruct((NCORE, N_PAD, D), jnp.float32),
    mesh=_mesh,
    scratch_types=[
        pltpu.VMEM((CH_PER_SUB, CHUNK), jnp.int32),
        pltpu.VMEM((CHUNK, D), jnp.float32),
        pltpu.VMEM_SHARED((N_PAD, D), jnp.float32),
        pltpu.SemaphoreType.DMA,
    ],
)
def _deg_kernel(col_hbm, ones_hbm, zeros_hbm, out_hbm,
                col_all, ones_v, deg_sh, sem):
    c = lax.axis_index("c")
    s = lax.axis_index("s")
    w = c * NSUB + s
    r0 = s * ROWS_PER_SUB
    pltpu.sync_copy(col_hbm.at[w], col_all)
    pltpu.sync_copy(ones_hbm, ones_v)
    pltpu.sync_copy(zeros_hbm.at[pl.ds(r0, ROWS_PER_SUB), :],
                    deg_sh.at[pl.ds(r0, ROWS_PER_SUB), :])
    plsc.subcore_barrier()

    def block(j, carry):
        descs = [
            pltpu.async_copy(ones_v, deg_sh.at[col_all.at[j * 8 + b]], sem,
                             add=True)
            for b in range(8)
        ]
        for d in descs:
            d.wait()
        return carry

    lax.fori_loop(0, CH_PER_SUB // 8, block, 0)
    plsc.subcore_barrier()
    pltpu.sync_copy(deg_sh.at[pl.ds(r0, ROWS_PER_SUB), :],
                    out_hbm.at[c].at[pl.ds(r0, ROWS_PER_SUB), :])


@functools.partial(
    pl.kernel,
    out_type=jax.ShapeDtypeStruct((NCORE, N_PAD, D), jnp.float32),
    mesh=_mesh,
    scratch_types=[
        pltpu.VMEM((CHUNK,), jnp.int32),
        pltpu.VMEM((CHUNK,), jnp.int32),
        pltpu.VMEM((CHUNK, D), jnp.float32),
        pltpu.SemaphoreType.DMA,
        pltpu.VMEM_SHARED((N_PAD, D), jnp.float32),
    ],
)
def _round_kernel(u_hbm, row_hbm, col_hbm, zeros_hbm, acc_hbm,
                  rowv, colv, rows_v, sem, acc_sh):
    c = lax.axis_index("c")
    s = lax.axis_index("s")
    w = c * NSUB + s
    r0 = s * ROWS_PER_SUB

    @pl.when(c == 0)
    def _():
        pltpu.sync_copy(u_hbm.at[pl.ds(r0, ROWS_PER_SUB), :],
                        acc_sh.at[pl.ds(r0, ROWS_PER_SUB), :])

    @pl.when(c == 1)
    def _():
        pltpu.sync_copy(zeros_hbm.at[pl.ds(r0, ROWS_PER_SUB), :],
                        acc_sh.at[pl.ds(r0, ROWS_PER_SUB), :])

    plsc.subcore_barrier()

    def chunk(i, carry):
        base = (w * CH_PER_SUB + i) * CHUNK
        pltpu.sync_copy(row_hbm.at[pl.ds(base, CHUNK)], rowv)
        pltpu.sync_copy(col_hbm.at[pl.ds(base, CHUNK)], colv)
        pltpu.async_copy(u_hbm.at[rowv], rows_v, sem).wait()
        pltpu.sync_copy(rows_v, acc_sh.at[colv], add=True)
        return carry

    lax.fori_loop(0, CH_PER_SUB, chunk, 0)
    plsc.subcore_barrier()
    pltpu.sync_copy(acc_sh.at[pl.ds(r0, ROWS_PER_SUB), :],
                    acc_hbm.at[c].at[pl.ds(r0, ROWS_PER_SUB), :])


def _prep_body(x_ref, deg_ref, u0_ref, dinv_ref, dinv2_ref):
    deg = deg_ref[0, :, 0:1] + deg_ref[1, :, 0:1] + 1.0
    rows = lax.broadcasted_iota(jnp.int32, (N_PAD, 1), 0)
    dinv = jnp.where(rows < N, lax.rsqrt(deg), 0.0)
    u0_ref[...] = dinv * x_ref[...]
    dinv_ref[...] = dinv
    dinv2_ref[...] = dinv * dinv


def _prep(x_pad, deg2d):
    return pl.pallas_call(
        _prep_body,
        out_shape=(
            jax.ShapeDtypeStruct((N_PAD, D), jnp.float32),
            jax.ShapeDtypeStruct((N_PAD, 1), jnp.float32),
            jax.ShapeDtypeStruct((N_PAD, 1), jnp.float32),
        ),
    )(x_pad, deg2d)


def _scale_body(acc_ref, dinv2_ref, u_ref):
    u_ref[...] = (acc_ref[0] + acc_ref[1]) * dinv2_ref[...]


def _scale(acc, dinv2):
    return pl.pallas_call(
        _scale_body,
        out_shape=jax.ShapeDtypeStruct((N_PAD, D), jnp.float32),
    )(acc, dinv2)


def _final_body(acc_ref, dinv_ref, wt_ref, b_ref, out_ref):
    h = (acc_ref[0] + acc_ref[1]) * dinv_ref[...]
    h = lax.slice(h, (0, 0), (N, D))
    out_ref[...] = jnp.dot(h, wt_ref[...],
                           preferred_element_type=jnp.float32) + b_ref[...]


def _final(acc, dinv, w_t, b2d):
    return pl.pallas_call(
        _final_body,
        out_shape=jax.ShapeDtypeStruct((N, D), jnp.float32),
    )(acc, dinv, w_t, b2d)


def kernel(x, edge_index, W, b):
    row = edge_index[0].astype(jnp.int32)
    col = edge_index[1].astype(jnp.int32)
    pad = E_PAD - row.shape[0]
    row_p = jnp.concatenate([row, jnp.full((pad,), N, jnp.int32)])
    col_p = jnp.concatenate([col, jnp.full((pad,), N, jnp.int32)])
    row3 = row_p.reshape(NW, CH_PER_SUB, CHUNK)
    col3 = col_p.reshape(NW, CH_PER_SUB, CHUNK)
    x_pad = jnp.pad(x, ((0, N_PAD - N), (0, 0)))
    ones_chunk = jnp.ones((CHUNK, D), jnp.float32)
    zeros128 = jnp.zeros((N_PAD, D), jnp.float32)

    deg2d = _deg_kernel(col3, ones_chunk, zeros128)
    u0, dinv, dinv2 = _prep(x_pad, deg2d)
    acc1 = _round_kernel(u0, row_p, col_p, zeros128)
    u1 = _scale(acc1, dinv2)
    acc2 = _round_kernel(u1, row_p, col_p, zeros128)
    return _final(acc2, dinv, W.T, b.reshape(1, D))

# --- scband reference (transcript-rebuilt; emitter-appended) ---
"""Pipeline reference for scband-sgcluster-29137058136183 (READ-ONLY COPY).

The authoritative reference and input builder live on the scoring server;
editing this copy changes nothing except your own understanding.
"""

import jax, jax.numpy as jnp
import numpy as np

N = 10000
E = 320000
D_IN = 128
D_OUT = 128
K = 2

def setup_inputs(seed: int = 0) -> dict:
    key = jax.random.key(seed)
    k1, k2, k3, k4 = jax.random.split(key, 4)
    x = jax.random.normal(k1, (N, D_IN), dtype=jnp.float32)
    edge_index = jax.random.randint(k2, (2, E), 0, N)
    # SGConv linear layer parameters (PyG Linear: y = x @ W.T + b)
    bound = 1.0 / np.sqrt(D_IN)
    W = jax.random.uniform(k3, (D_OUT, D_IN), dtype=jnp.float32, minval=-bound, maxval=bound)
    b = jax.random.uniform(k4, (D_OUT,), dtype=jnp.float32, minval=-bound, maxval=bound)
    return {"x": x, "edge_index": edge_index, "W": W, "b": b}

def reference(x, edge_index, W, b):
    # SGConv: K rounds of GCN-normalized propagation (with self loops), then linear.
    row = edge_index[0]
    col = edge_index[1]
    loop = jnp.arange(N, dtype=row.dtype)
    row = jnp.concatenate([row, loop])
    col = jnp.concatenate([col, loop])
    ew = jnp.ones((row.shape[0],), dtype=x.dtype)
    deg = jnp.zeros((N,), dtype=x.dtype).at[col].add(ew)
    deg_inv_sqrt = jnp.where(deg > 0, deg ** -0.5, 0.0)
    norm = deg_inv_sqrt[row] * ew * deg_inv_sqrt[col]
    h = x
    for _ in range(K):
        msg = norm[:, None] * jnp.take(h, row, axis=0)
        h = jnp.zeros((N, h.shape[1]), dtype=h.dtype).at[col].add(msg)
    return h @ W.T + b

if __name__ == "__main__":
    import jax
    _d = setup_inputs()
    print(jax.jit(kernel)(*tuple(_d.values())))

</pallas_src>

<mosaic_0001>
#map = affine_map<(d0, d1) -> (0, 0, 0)>
#map1 = affine_map<(d0, d1) -> (0, 0)>
module attributes {stable_mosaic.version = 14 : i64} {
  func.func @_deg_kernel(%arg0: i32, %arg1: i32, %arg2: memref<32x80x128xi32, #tpu.memory_space<hbm>>, %arg3: memref<128x128xf32, #tpu.memory_space<hbm>>, %arg4: memref<10112x128xf32, #tpu.memory_space<hbm>>, %arg5: memref<2x10112x128xf32, #tpu.memory_space<hbm>>, %arg6: memref<80x128xi32, #tpu.memory_space<vmem>>, %arg7: memref<128x128xf32, #tpu.memory_space<vmem>>, %arg8: memref<10112x128xf32, #tpu.memory_space<vmem_shared>>, %arg9: memref<!tpu.dma_semaphore, #tpu.memory_space<semaphore_mem>>) attributes {dimension_semantics = [#tpu.dimension_semantics<core_parallel>, #tpu.dimension_semantics<subcore_parallel>], iteration_bounds = array<i64: 2, 16>, scalar_prefetch = 0 : i64, scratch_operands = 4 : i64, tpu.core_type = #tpu.core_type<sc_vector_subcore>, window_params = [{transform_indices = #map}, {transform_indices = #map1}, {transform_indices = #map1}, {transform_indices = #map}]} {
    %mul3A = arith.constant 16 : i32
    %mul3A_0 = arith.muli %arg0, %mul3A : i32
    %add3A = arith.addi %mul3A_0, %arg1 : i32
    %mul3A_1 = arith.constant 632 : i32
    %mul3A_2 = arith.muli %arg1, %mul3A_1 : i32
    "tpu.region"() ({
      %run_scoped3A = tpu.sem_alloc : memref<!tpu.dma_semaphore, #tpu.memory_space<semaphore_mem>>
      %dma_start3A = arith.constant 0 : i32
      %dma_start3A_9 = arith.constant 0 : i32
      %dma_start3A_10 = tpu.memref_slice %arg2[%add3A, %dma_start3A, %dma_start3A_9] : memref<32x80x128xi32, #tpu.memory_space<hbm>> -> memref<1x80x128xi32, #tpu.memory_space<hbm>>
      %dma_start3A_11 = tpu.memref_squeeze %dma_start3A_10 : memref<1x80x128xi32, #tpu.memory_space<hbm>> -> memref<80x128xi32, #tpu.memory_space<hbm>>
      %dma_start3A_12 = arith.constant 0 : i32
      %dma_start3A_13 = arith.constant 0 : i32
      %dma_start3A_14 = tpu.memref_slice %arg2[%add3A, %dma_start3A_12, %dma_start3A_13] : memref<32x80x128xi32, #tpu.memory_space<hbm>> -> memref<1x80x128xi32, #tpu.memory_space<hbm>>
      %dma_start3A_15 = tpu.memref_squeeze %dma_start3A_14 : memref<1x80x128xi32, #tpu.memory_space<hbm>> -> memref<80x128xi32, #tpu.memory_space<hbm>>
      tpu.enqueue_dma source(%dma_start3A_15 : memref<80x128xi32, #tpu.memory_space<hbm>>) target(%arg6 : memref<80x128xi32, #tpu.memory_space<vmem>>) target_semaphore(%run_scoped3A : memref<!tpu.dma_semaphore, #tpu.memory_space<semaphore_mem>>)
      %dma_wait3A = arith.constant 0 : i32
      %dma_wait3A_16 = arith.constant 0 : i32
      %dma_wait3A_17 = tpu.memref_slice %arg2[%add3A, %dma_wait3A, %dma_wait3A_16] : memref<32x80x128xi32, #tpu.memory_space<hbm>> -> memref<1x80x128xi32, #tpu.memory_space<hbm>>
      %dma_wait3A_18 = tpu.memref_squeeze %dma_wait3A_17 : memref<1x80x128xi32, #tpu.memory_space<hbm>> -> memref<80x128xi32, #tpu.memory_space<hbm>>
      %dma_wait3A_19 = arith.constant 0 : i32
      %dma_wait3A_20 = arith.constant 0 : i32
      %dma_wait3A_21 = tpu.memref_slice %arg2[%add3A, %dma_wait3A_19, %dma_wait3A_20] : memref<32x80x128xi32, #tpu.memory_space<hbm>> -> memref<1x80x128xi32, #tpu.memory_space<hbm>>
      %dma_wait3A_22 = tpu.memref_squeeze %dma_wait3A_21 : memref<1x80x128xi32, #tpu.memory_space<hbm>> -> memref<80x128xi32, #tpu.memory_space<hbm>>
      tpu.wait_dma2 semaphore(%run_scoped3A : memref<!tpu.dma_semaphore, #tpu.memory_space<semaphore_mem>>) src(%dma_wait3A_22 : memref<80x128xi32, #tpu.memory_space<hbm>>) dst(%arg6 : memref<80x128xi32, #tpu.memory_space<vmem>>)
      tpu.yield
    }) : () -> ()
    "tpu.region"() ({
      %run_scoped3A = tpu.sem_alloc : memref<!tpu.dma_semaphore, #tpu.memory_space<semaphore_mem>>
      tpu.enqueue_dma source(%arg3 : memref<128x128xf32, #tpu.memory_space<hbm>>) target(%arg7 : memref<128x128xf32, #tpu.memory_space<vmem>>) target_semaphore(%run_scoped3A : memref<!tpu.dma_semaphore, #tpu.memory_space<semaphore_mem>>)
      tpu.wait_dma2 semaphore(%run_scoped3A : memref<!tpu.dma_semaphore, #tpu.memory_space<semaphore_mem>>) src(%arg3 : memref<128x128xf32, #tpu.memory_space<hbm>>) dst(%arg7 : memref<128x128xf32, #tpu.memory_space<vmem>>)
      tpu.yield
    }) : () -> ()
    "tpu.region"() ({
      %run_scoped3A = tpu.sem_alloc : memref<!tpu.dma_semaphore, #tpu.memory_space<semaphore_mem>>
      %dma_start3A = arith.constant 0 : i32
      %dma_start3A_9 = tpu.memref_slice %arg8[%mul3A_2, %dma_start3A] : memref<10112x128xf32, #tpu.memory_space<vmem_shared>> -> memref<632x128xf32, #tpu.memory_space<vmem_shared>>
      %dma_start3A_10 = arith.constant 0 : i32
      %dma_start3A_11 = tpu.memref_slice %arg4[%mul3A_2, %dma_start3A_10] : memref<10112x128xf32, #tpu.memory_space<hbm>> -> memref<632x128xf32, #tpu.memory_space<hbm>>
      tpu.enqueue_dma source(%dma_start3A_11 : memref<632x128xf32, #tpu.memory_space<hbm>>) target(%dma_start3A_9 : memref<632x128xf32, #tpu.memory_space<vmem_shared>>) target_semaphore(%run_scoped3A : memref<!tpu.dma_semaphore, #tpu.memory_space<semaphore_mem>>)
      %dma_wait3A = arith.constant 0 : i32
      %dma_wait3A_12 = tpu.memref_slice %arg8[%mul3A_2, %dma_wait3A] : memref<10112x128xf32, #tpu.memory_space<vmem_shared>> -> memref<632x128xf32, #tpu.memory_space<vmem_shared>>
      %dma_wait3A_13 = arith.constant 0 : i32
      %dma_wait3A_14 = tpu.memref_slice %arg4[%mul3A_2, %dma_wait3A_13] : memref<10112x128xf32, #tpu.memory_space<hbm>> -> memref<632x128xf32, #tpu.memory_space<hbm>>
      tpu.wait_dma2 semaphore(%run_scoped3A : memref<!tpu.dma_semaphore, #tpu.memory_space<semaphore_mem>>) src(%dma_wait3A_14 : memref<632x128xf32, #tpu.memory_space<hbm>>) dst(%dma_wait3A_12 : memref<632x128xf32, #tpu.memory_space<vmem_shared>>)
      tpu.yield
    }) : () -> ()
    %barrier3A = arith.constant 0 : index
    tpu.barrier barrier_id(%barrier3A)
    %scan3A = arith.constant 0 : i32
    %scan3A_3 = arith.constant 0 : i32
    %scan3A_4 = arith.constant 10 : i32
    %scan3A_5 = arith.addi %scan3A_3, %scan3A_4 : i32
    %scan3A_6 = arith.constant 1 : i32
    scf.for %scan3A_9 = %scan3A_3 to %scan3A_5 step %scan3A_6  : i32 {
      %mul3A_10 = arith.constant 8 : i32
      %mul3A_11 = arith.muli %scan3A_9, %mul3A_10 : i32
      %add3A_12 = arith.constant 0 : i32
      %add3A_13 = arith.addi %mul3A_11, %add3A_12 : i32
      %dma_start3A = arith.constant 0 : i32
      %dma_start3A_14 = tpu.memref_slice %arg6[%add3A_13, %dma_start3A] : memref<80x128xi32, #tpu.memory_space<vmem>> -> memref<1x128xi32, #tpu.memory_space<vmem>>
      %dma_start3A_15 = tpu.memref_squeeze %dma_start3A_14 : memref<1x128xi32, #tpu.memory_space<vmem>> -> memref<128xi32, #tpu.memory_space<vmem>>
      %dma_start3A_16 = arith.constant 0 : i32
      %dma_start3A_17 = arith.constant 0 : i32
      %dma_start3A_18 = tpu.memref_slice %arg8[%dma_start3A_16, %dma_start3A_17] : memref<10112x128xf32, #tpu.memory_space<vmem_shared>> -> memref<10112x128xf32, #tpu.memory_space<vmem_shared>>
      tpu.enqueue_indirect_dma source(%arg7 : memref<128x128xf32, #tpu.memory_space<vmem>>) target(%dma_start3A_18 : memref<10112x128xf32, #tpu.memory_space<vmem_shared>>) offsets(%dma_start3A_15 : memref<128xi32, #tpu.memory_space<vmem>>) semaphore(%arg9 : memref<!tpu.dma_semaphore, #tpu.memory_space<semaphore_mem>>) {add = true}
      %mul3A_19 = arith.constant 8 : i32
      %mul3A_20 = arith.muli %scan3A_9, %mul3A_19 : i32
      %add3A_21 = arith.constant 1 : i32
      %add3A_22 = arith.addi %mul3A_20, %add3A_21 : i32
      %dma_start3A_23 = arith.constant 0 : i32
      %dma_start3A_24 = tpu.memref_slice %arg6[%add3A_22, %dma_start3A_23] : memref<80x128xi32, #tpu.memory_space<vmem>> -> memref<1x128xi32, #tpu.memory_space<vmem>>
      %dma_start3A_25 = tpu.memref_squeeze %dma_start3A_24 : memref<1x128xi32, #tpu.memory_space<vmem>> -> memref<128xi32, #tpu.memory_space<vmem>>
      %dma_start3A_26 = arith.constant 0 : i32
      %dma_start3A_27 = arith.constant 0 : i32
      %dma_start3A_28 = tpu.memref_slice %arg8[%dma_start3A_26, %dma_start3A_27] : memref<10112x128xf32, #tpu.memory_space<vmem_shared>> -> memref<10112x128xf32, #tpu.memory_space<vmem_shared>>
      tpu.enqueue_indirect_dma source(%arg7 : memref<128x128xf32, #tpu.memory_space<vmem>>) target(%dma_start3A_28 : memref<10112x128xf32, #tpu.memory_space<vmem_shared>>) offsets(%dma_start3A_25 : memref<128xi32, #tpu.memory_space<vmem>>) semaphore(%arg9 : memref<!tpu.dma_semaphore, #tpu.memory_space<semaphore_mem>>) {add = true}
      %mul3A_29 = arith.constant 8 : i32
      %mul3A_30 = arith.muli %scan3A_9, %mul3A_29 : i32
      %add3A_31 = arith.constant 2 : i32
      %add3A_32 = arith.addi %mul3A_30, %add3A_31 : i32
      %dma_start3A_33 = arith.constant 0 : i32
      %dma_start3A_34 = tpu.memref_slice %arg6[%add3A_32, %dma_start3A_33] : memref<80x128xi32, #tpu.memory_space<vmem>> -> memref<1x128xi32, #tpu.memory_space<vmem>>
      %dma_start3A_35 = tpu.memref_squeeze %dma_start3A_34 : memref<1x128xi32, #tpu.memory_space<vmem>> -> memref<128xi32, #tpu.memory_space<vmem>>
      %dma_start3A_36 = arith.constant 0 : i32
      %dma_start3A_37 = arith.constant 0 : i32
      %dma_start3A_38 = tpu.memref_slice %arg8[%dma_start3A_36, %dma_start3A_37] : memref<10112x128xf32, #tpu.memory_space<vmem_shared>> -> memref<10112x128xf32, #tpu.memory_space<vmem_shared>>
      tpu.enqueue_indirect_dma source(%arg7 : memref<128x128xf32, #tpu.memory_space<vmem>>) target(%dma_start3A_38 : memref<10112x128xf32, #tpu.memory_space<vmem_shared>>) offsets(%dma_start3A_35 : memref<128xi32, #tpu.memory_space<vmem>>) semaphore(%arg9 : memref<!tpu.dma_semaphore, #tpu.memory_space<semaphore_mem>>) {add = true}
      %mul3A_39 = arith.constant 8 : i32
      %mul3A_40 = arith.muli %scan3A_9, %mul3A_39 : i32
      %add3A_41 = arith.constant 3 : i32
      %add3A_42 = arith.addi %mul3A_40, %add3A_41 : i32
      %dma_start3A_43 = arith.constant 0 : i32
      %dma_start3A_44 = tpu.memref_slice %arg6[%add3A_42, %dma_start3A_43] : memref<80x128xi32, #tpu.memory_space<vmem>> -> memref<1x128xi32, #tpu.memory_space<vmem>>
      %dma_start3A_45 = tpu.memref_squeeze %dma_start3A_44 : memref<1x128xi32, #tpu.memory_space<vmem>> -> memref<128xi32, #tpu.memory_space<vmem>>
      %dma_start3A_46 = arith.constant 0 : i32
      %dma_start3A_47 = arith.constant 0 : i32
      %dma_start3A_48 = tpu.memref_slice %arg8[%dma_start3A_46, %dma_start3A_47] : memref<10112x128xf32, #tpu.memory_space<vmem_shared>> -> memref<10112x128xf32, #tpu.memory_space<vmem_shared>>
      tpu.enqueue_indirect_dma source(%arg7 : memref<128x128xf32, #tpu.memory_space<vmem>>) target(%dma_start3A_48 : memref<10112x128xf32, #tpu.memory_space<vmem_shared>>) offsets(%dma_start3A_45 : memref<128xi32, #tpu.memory_space<vmem>>) semaphore(%arg9 : memref<!tpu.dma_semaphore, #tpu.memory_space<semaphore_mem>>) {add = true}
      %mul3A_49 = arith.constant 8 : i32
      %mul3A_50 = arith.muli %scan3A_9, %mul3A_49 : i32
      %add3A_51 = arith.constant 4 : i32
      %add3A_52 = arith.addi %mul3A_50, %add3A_51 : i32
      %dma_start3A_53 = arith.constant 0 : i32
      %dma_start3A_54 = tpu.memref_slice %arg6[%add3A_52, %dma_start3A_53] : memref<80x128xi32, #tpu.memory_space<vmem>> -> memref<1x128xi32, #tpu.memory_space<vmem>>
      %dma_start3A_55 = tpu.memref_squeeze %dma_start3A_54 : memref<1x128xi32, #tpu.memory_space<vmem>> -> memref<128xi32, #tpu.memory_space<vmem>>
      %dma_start3A_56 = arith.constant 0 : i32
      %dma_start3A_57 = arith.constant 0 : i32
      %dma_start3A_58 = tpu.memref_slice %arg8[%dma_start3A_56, %dma_start3A_57] : memref<10112x128xf32, #tpu.memory_space<vmem_shared>> -> memref<10112x128xf32, #tpu.memory_space<vmem_shared>>
      tpu.enqueue_indirect_dma source(%arg7 : memref<128x128xf32, #tpu.memory_space<vmem>>) target(%dma_start3A_58 : memref<10112x128xf32, #tpu.memory_space<vmem_shared>>) offsets(%dma_start3A_55 : memref<128xi32, #tpu.memory_space<vmem>>) semaphore(%arg9 : memref<!tpu.dma_semaphore, #tpu.memory_space<semaphore_mem>>) {add = true}
      %mul3A_59 = arith.constant 8 : i32
      %mul3A_60 = arith.muli %scan3A_9, %mul3A_59 : i32
      %add3A_61 = arith.constant 5 : i32
      %add3A_62 = arith.addi %mul3A_60, %add3A_61 : i32
      %dma_start3A_63 = arith.constant 0 : i32
      %dma_start3A_64 = tpu.memref_slice %arg6[%add3A_62, %dma_start3A_63] : memref<80x128xi32, #tpu.memory_space<vmem>> -> memref<1x128xi32, #tpu.memory_space<vmem>>
      %dma_start3A_65 = tpu.memref_squeeze %dma_start3A_64 : memref<1x128xi32, #tpu.memory_space<vmem>> -> memref<128xi32, #tpu.memory_space<vmem>>
      %dma_start3A_66 = arith.constant 0 : i32
      %dma_start3A_67 = arith.constant 0 : i32
      %dma_start3A_68 = tpu.memref_slice %arg8[%dma_start3A_66, %dma_start3A_67] : memref<10112x128xf32, #tpu.memory_space<vmem_shared>> -> memref<10112x128xf32, #tpu.memory_space<vmem_shared>>
      tpu.enqueue_indirect_dma source(%arg7 : memref<128x128xf32, #tpu.memory_space<vmem>>) target(%dma_start3A_68 : memref<10112x128xf32, #tpu.memory_space<vmem_shared>>) offsets(%dma_start3A_65 : memref<128xi32, #tpu.memory_space<vmem>>) semaphore(%arg9 : memref<!tpu.dma_semaphore, #tpu.memory_space<semaphore_mem>>) {add = true}
      %mul3A_69 = arith.constant 8 : i32
      %mul3A_70 = arith.muli %scan3A_9, %mul3A_69 : i32
      %add3A_71 = arith.constant 6 : i32
      %add3A_72 = arith.addi %mul3A_70, %add3A_71 : i32
      %dma_start3A_73 = arith.constant 0 : i32
      %dma_start3A_74 = tpu.memref_slice %arg6[%add3A_72, %dma_start3A_73] : memref<80x128xi32, #tpu.memory_space<vmem>> -> memref<1x128xi32, #tpu.memory_space<vmem>>
      %dma_start3A_75 = tpu.memref_squeeze %dma_start3A_74 : memref<1x128xi32, #tpu.memory_space<vmem>> -> memref<128xi32, #tpu.memory_space<vmem>>
      %dma_start3A_76 = arith.constant 0 : i32
      %dma_start3A_77 = arith.constant 0 : i32
      %dma_start3A_78 = tpu.memref_slice %arg8[%dma_start3A_76, %dma_start3A_77] : memref<10112x128xf32, #tpu.memory_space<vmem_shared>> -> memref<10112x128xf32, #tpu.memory_space<vmem_shared>>
      tpu.enqueue_indirect_dma source(%arg7 : memref<128x128xf32, #tpu.memory_space<vmem>>) target(%dma_start3A_78 : memref<10112x128xf32, #tpu.memory_space<vmem_shared>>) offsets(%dma_start3A_75 : memref<128xi32, #tpu.memory_space<vmem>>) semaphore(%arg9 : memref<!tpu.dma_semaphore, #tpu.memory_space<semaphore_mem>>) {add = true}
      %mul3A_79 = arith.constant 8 : i32
      %mul3A_80 = arith.muli %scan3A_9, %mul3A_79 : i32
      %add3A_81 = arith.constant 7 : i32
      %add3A_82 = arith.addi %mul3A_80, %add3A_81 : i32
      %dma_start3A_83 = arith.constant 0 : i32
      %dma_start3A_84 = tpu.memref_slice %arg6[%add3A_82, %dma_start3A_83] : memref<80x128xi32, #tpu.memory_space<vmem>> -> memref<1x128xi32, #tpu.memory_space<vmem>>
      %dma_start3A_85 = tpu.memref_squeeze %dma_start3A_84 : memref<1x128xi32, #tpu.memory_space<vmem>> -> memref<128xi32, #tpu.memory_space<vmem>>
      %dma_start3A_86 = arith.constant 0 : i32
      %dma_start3A_87 = arith.constant 0 : i32
      %dma_start3A_88 = tpu.memref_slice %arg8[%dma_start3A_86, %dma_start3A_87] : memref<10112x128xf32, #tpu.memory_space<vmem_shared>> -> memref<10112x128xf32, #tpu.memory_space<vmem_shared>>
      tpu.enqueue_indirect_dma source(%arg7 : memref<128x128xf32, #tpu.memory_space<vmem>>) target(%dma_start3A_88 : memref<10112x128xf32, #tpu.memory_space<vmem_shared>>) offsets(%dma_start3A_85 : memref<128xi32, #tpu.memory_space<vmem>>) semaphore(%arg9 : memref<!tpu.dma_semaphore, #tpu.memory_space<semaphore_mem>>) {add = true}
      %dma_wait3A = arith.constant 0 : i32
      %dma_wait3A_89 = tpu.memref_slice %arg6[%add3A_13, %dma_wait3A] : memref<80x128xi32, #tpu.memory_space<vmem>> -> memref<1x128xi32, #tpu.memory_space<vmem>>
      %dma_wait3A_90 = tpu.memref_squeeze %dma_wait3A_89 : memref<1x128xi32, #tpu.memory_space<vmem>> -> memref<128xi32, #tpu.memory_space<vmem>>
      %dma_wait3A_91 = arith.constant 0 : i32
      %dma_wait3A_92 = arith.constant 0 : i32
      %dma_wait3A_93 = tpu.memref_slice %arg8[%dma_wait3A_91, %dma_wait3A_92] : memref<10112x128xf32, #tpu.memory_space<vmem_shared>> -> memref<10112x128xf32, #tpu.memory_space<vmem_shared>>
      tpu.wait_indirect_dma semaphore(%arg9 : memref<!tpu.dma_semaphore, #tpu.memory_space<semaphore_mem>>) src(%arg7 : memref<128x128xf32, #tpu.memory_space<vmem>>) dst(%dma_wait3A_93 : memref<10112x128xf32, #tpu.memory_space<vmem_shared>>)
      %dma_wait3A_94 = arith.constant 0 : i32
      %dma_wait3A_95 = tpu.memref_slice %arg6[%add3A_22, %dma_wait3A_94] : memref<80x128xi32, #tpu.memory_space<vmem>> -> memref<1x128xi32, #tpu.memory_space<vmem>>
      %dma_wait3A_96 = tpu.memref_squeeze %dma_wait3A_95 : memref<1x128xi32, #tpu.memory_space<vmem>> -> memref<128xi32, #tpu.memory_space<vmem>>
      %dma_wait3A_97 = arith.constant 0 : i32
      %dma_wait3A_98 = arith.constant 0 : i32
      %dma_wait3A_99 = tpu.memref_slice %arg8[%dma_wait3A_97, %dma_wait3A_98] : memref<10112x128xf32, #tpu.memory_space<vmem_shared>> -> memref<10112x128xf32, #tpu.memory_space<vmem_shared>>
      tpu.wait_indirect_dma semaphore(%arg9 : memref<!tpu.dma_semaphore, #tpu.memory_space<semaphore_mem>>) src(%arg7 : memref<128x128xf32, #tpu.memory_space<vmem>>) dst(%dma_wait3A_99 : memref<10112x128xf32, #tpu.memory_space<vmem_shared>>)
      %dma_wait3A_100 = arith.constant 0 : i32
      %dma_wait3A_101 = tpu.memref_slice %arg6[%add3A_32, %dma_wait3A_100] : memref<80x128xi32, #tpu.memory_space<vmem>> -> memref<1x128xi32, #tpu.memory_space<vmem>>
      %dma_wait3A_102 = tpu.memref_squeeze %dma_wait3A_101 : memref<1x128xi32, #tpu.memory_space<vmem>> -> memref<128xi32, #tpu.memory_space<vmem>>
      %dma_wait3A_103 = arith.constant 0 : i32
      %dma_wait3A_104 = arith.constant 0 : i32
      %dma_wait3A_105 = tpu.memref_slice %arg8[%dma_wait3A_103, %dma_wait3A_104] : memref<10112x128xf32, #tpu.memory_space<vmem_shared>> -> memref<10112x128xf32, #tpu.memory_space<vmem_shared>>
      tpu.wait_indirect_dma semaphore(%arg9 : memref<!tpu.dma_semaphore, #tpu.memory_space<semaphore_mem>>) src(%arg7 : memref<128x128xf32, #tpu.memory_space<vmem>>) dst(%dma_wait3A_105 : memref<10112x128xf32, #tpu.memory_space<vmem_shared>>)
      %dma_wait3A_106 = arith.constant 0 : i32
      %dma_wait3A_107 = tpu.memref_slice %arg6[%add3A_42, %dma_wait3A_106] : memref<80x128xi32, #tpu.memory_space<vmem>> -> memref<1x128xi32, #tpu.memory_space<vmem>>
      %dma_wait3A_108 = tpu.memref_squeeze %dma_wait3A_107 : memref<1x128xi32, #tpu.memory_space<vmem>> -> memref<128xi32, #tpu.memory_space<vmem>>
      %dma_wait3A_109 = arith.constant 0 : i32
      %dma_wait3A_110 = arith.constant 0 : i32
      %dma_wait3A_111 = tpu.memref_slice %arg8[%dma_wait3A_109, %dma_wait3A_110] : memref<10112x128xf32, #tpu.memory_space<vmem_shared>> -> memref<10112x128xf32, #tpu.memory_space<vmem_shared>>
      tpu.wait_indirect_dma semaphore(%arg9 : memref<!tpu.dma_semaphore, #tpu.memory_space<semaphore_mem>>) src(%arg7 : memref<128x128xf32, #tpu.memory_space<vmem>>) dst(%dma_wait3A_111 : memref<10112x128xf32, #tpu.memory_space<vmem_shared>>)
      %dma_wait3A_112 = arith.constant 0 : i32
      %dma_wait3A_113 = tpu.memref_slice %arg6[%add3A_52, %dma_wait3A_112] : memref<80x128xi32, #tpu.memory_space<vmem>> -> memref<1x128xi32, #tpu.memory_space<vmem>>
      %dma_wait3A_114 = tpu.memref_squeeze %dma_wait3A_113 : memref<1x128xi32, #tpu.memory_space<vmem>> -> memref<128xi32, #tpu.memory_space<vmem>>
      %dma_wait3A_115 = arith.constant 0 : i32
      %dma_wait3A_116 = arith.constant 0 : i32
      %dma_wait3A_117 = tpu.memref_slice %arg8[%dma_wait3A_115, %dma_wait3A_116] : memref<10112x128xf32, #tpu.memory_space<vmem_shared>> -> memref<10112x128xf32, #tpu.memory_space<vmem_shared>>
      tpu.wait_indirect_dma semaphore(%arg9 : memref<!tpu.dma_semaphore, #tpu.memory_space<semaphore_mem>>) src(%arg7 : memref<128x128xf32, #tpu.memory_space<vmem>>) dst(%dma_wait3A_117 : memref<10112x128xf32, #tpu.memory_space<vmem_shared>>)
      %dma_wait3A_118 = arith.constant 0 : i32
      %dma_wait3A_119 = tpu.memref_slice %arg6[%add3A_62, %dma_wait3A_118] : memref<80x128xi32, #tpu.memory_space<vmem>> -> memref<1x128xi32, #tpu.memory_space<vmem>>
      %dma_wait3A_120 = tpu.memref_squeeze %dma_wait3A_119 : memref<1x128xi32, #tpu.memory_space<vmem>> -> memref<128xi32, #tpu.memory_space<vmem>>
      %dma_wait3A_121 = arith.constant 0 : i32
      %dma_wait3A_122 = arith.constant 0 : i32
      %dma_wait3A_123 = tpu.memref_slice %arg8[%dma_wait3A_121, %dma_wait3A_122] : memref<10112x128xf32, #tpu.memory_space<vmem_shared>> -> memref<10112x128xf32, #tpu.memory_space<vmem_shared>>
      tpu.wait_indirect_dma semaphore(%arg9 : memref<!tpu.dma_semaphore, #tpu.memory_space<semaphore_mem>>) src(%arg7 : memref<128x128xf32, #tpu.memory_space<vmem>>) dst(%dma_wait3A_123 : memref<10112x128xf32, #tpu.memory_space<vmem_shared>>)
      %dma_wait3A_124 = arith.constant 0 : i32
      %dma_wait3A_125 = tpu.memref_slice %arg6[%add3A_72, %dma_wait3A_124] : memref<80x128xi32, #tpu.memory_space<vmem>> -> memref<1x128xi32, #tpu.memory_space<vmem>>
      %dma_wait3A_126 = tpu.memref_squeeze %dma_wait3A_125 : memref<1x128xi32, #tpu.memory_space<vmem>> -> memref<128xi32, #tpu.memory_space<vmem>>
      %dma_wait3A_127 = arith.constant 0 : i32
      %dma_wait3A_128 = arith.constant 0 : i32
      %dma_wait3A_129 = tpu.memref_slice %arg8[%dma_wait3A_127, %dma_wait3A_128] : memref<10112x128xf32, #tpu.memory_space<vmem_shared>> -> memref<10112x128xf32, #tpu.memory_space<vmem_shared>>
      tpu.wait_indirect_dma semaphore(%arg9 : memref<!tpu.dma_semaphore, #tpu.memory_space<semaphore_mem>>) src(%arg7 : memref<128x128xf32, #tpu.memory_space<vmem>>) dst(%dma_wait3A_129 : memref<10112x128xf32, #tpu.memory_space<vmem_shared>>)
      %dma_wait3A_130 = arith.constant 0 : i32
      %dma_wait3A_131 = tpu.memref_slice %arg6[%add3A_82, %dma_wait3A_130] : memref<80x128xi32, #tpu.memory_space<vmem>> -> memref<1x128xi32, #tpu.memory_space<vmem>>
      %dma_wait3A_132 = tpu.memref_squeeze %dma_wait3A_131 : memref<1x128xi32, #tpu.memory_space<vmem>> -> memref<128xi32, #tpu.memory_space<vmem>>
      %dma_wait3A_133 = arith.constant 0 : i32
      %dma_wait3A_134 = arith.constant 0 : i32
      %dma_wait3A_135 = tpu.memref_slice %arg8[%dma_wait3A_133, %dma_wait3A_134] : memref<10112x128xf32, #tpu.memory_space<vmem_shared>> -> memref<10112x128xf32, #tpu.memory_space<vmem_shared>>
      tpu.wait_indirect_dma semaphore(%arg9 : memref<!tpu.dma_semaphore, #tpu.memory_space<semaphore_mem>>) src(%arg7 : memref<128x128xf32, #tpu.memory_space<vmem>>) dst(%dma_wait3A_135 : memref<10112x128xf32, #tpu.memory_space<vmem_shared>>)
    }
    %scan3A_7 = arith.constant 10 : i32
    %barrier3A_8 = arith.constant 0 : index
    tpu.barrier barrier_id(%barrier3A_8)
    "tpu.region"() ({
      %run_scoped3A = tpu.sem_alloc : memref<!tpu.dma_semaphore, #tpu.memory_space<semaphore_mem>>
      %dma_start3A = arith.constant 0 : i32
      %dma_start3A_9 = arith.constant 0 : i32
      %dma_start3A_10 = tpu.memref_slice %arg5[%arg0, %dma_start3A, %dma_start3A_9] : memref<2x10112x128xf32, #tpu.memory_space<hbm>> -> memref<1x10112x128xf32, #tpu.memory_space<hbm>>
      %dma_start3A_11 = tpu.memref_squeeze %dma_start3A_10 : memref<1x10112x128xf32, #tpu.memory_space<hbm>> -> memref<10112x128xf32, #tpu.memory_space<hbm>>
      %dma_start3A_12 = arith.constant 0 : i32
      %dma_start3A_13 = tpu.memref_slice %dma_start3A_11[%mul3A_2, %dma_start3A_12] : memref<10112x128xf32, #tpu.memory_space<hbm>> -> memref<632x128xf32, #tpu.memory_space<hbm>>
      %dma_start3A_14 = arith.constant 0 : i32
      %dma_start3A_15 = tpu.memref_slice %arg8[%mul3A_2, %dma_start3A_14] : memref<10112x128xf32, #tpu.memory_space<vmem_shared>> -> memref<632x128xf32, #tpu.memory_space<vmem_shared>>
      tpu.enqueue_dma source(%dma_start3A_15 : memref<632x128xf32, #tpu.memory_space<vmem_shared>>) target(%dma_start3A_13 : memref<632x128xf32, #tpu.memory_space<hbm>>) target_semaphore(%run_scoped3A : memref<!tpu.dma_semaphore, #tpu.memory_space<semaphore_mem>>)
      %dma_wait3A = arith.constant 0 : i32
      %dma_wait3A_16 = arith.constant 0 : i32
      %dma_wait3A_17 = tpu.memref_slice %arg5[%arg0, %dma_wait3A, %dma_wait3A_16] : memref<2x10112x128xf32, #tpu.memory_space<hbm>> -> memref<1x10112x128xf32, #tpu.memory_space<hbm>>
      %dma_wait3A_18 = tpu.memref_squeeze %dma_wait3A_17 : memref<1x10112x128xf32, #tpu.memory_space<hbm>> -> memref<10112x128xf32, #tpu.memory_space<hbm>>
      %dma_wait3A_19 = arith.constant 0 : i32
      %dma_wait3A_20 = tpu.memref_slice %dma_wait3A_18[%mul3A_2, %dma_wait3A_19] : memref<10112x128xf32, #tpu.memory_space<hbm>> -> memref<632x128xf32, #tpu.memory_space<hbm>>
      %dma_wait3A_21 = arith.constant 0 : i32
      %dma_wait3A_22 = tpu.memref_slice %arg8[%mul3A_2, %dma_wait3A_21] : memref<10112x128xf32, #tpu.memory_space<vmem_shared>> -> memref<632x128xf32, #tpu.memory_space<vmem_shared>>
      tpu.wait_dma2 semaphore(%run_scoped3A : memref<!tpu.dma_semaphore, #tpu.memory_space<semaphore_mem>>) src(%dma_wait3A_22 : memref<632x128xf32, #tpu.memory_space<vmem_shared>>) dst(%dma_wait3A_20 : memref<632x128xf32, #tpu.memory_space<hbm>>)
      tpu.yield
    }) : () -> ()
    return
  }
}

#map = affine_map<(d0, d1) -> (0, 0)>
#map1 = affine_map<(d0, d1) -> (0)>
#map2 = affine_map<(d0, d1) -> (0, 0, 0)>
module attributes {stable_mosaic.version = 14 : i64} {
  func.func @_round_kernel(%arg0: i32, %arg1: i32, %arg2: memref<10112x128xf32, #tpu.memory_space<hbm>>, %arg3: memref<327680xi32, #tpu.memory_space<hbm>>, %arg4: memref<327680xi32, #tpu.memory_space<hbm>>, %arg5: memref<10112x128xf32, #tpu.memory_space<hbm>>, %arg6: memref<2x10112x128xf32, #tpu.memory_space<hbm>>, %arg7: memref<128xi32, #tpu.memory_space<vmem>>, %arg8: memref<128xi32, #tpu.memory_space<vmem>>, %arg9: memref<128x128xf32, #tpu.memory_space<vmem>>, %arg10: memref<!tpu.dma_semaphore, #tpu.memory_space<semaphore_mem>>, %arg11: memref<10112x128xf32, #tpu.memory_space<vmem_shared>>) attributes {dimension_semantics = [#tpu.dimension_semantics<core_parallel>, #tpu.dimension_semantics<subcore_parallel>], iteration_bounds = array<i64: 2, 16>, scalar_prefetch = 0 : i64, scratch_operands = 5 : i64, tpu.core_type = #tpu.core_type<sc_vector_subcore>, window_params = [{transform_indices = #map}, {transform_indices = #map1}, {transform_indices = #map1}, {transform_indices = #map}, {transform_indices = #map2}]} {
    %mul3A = arith.constant 16 : i32
    %mul3A_0 = arith.muli %arg0, %mul3A : i32
    %add3A = arith.addi %mul3A_0, %arg1 : i32
    %mul3A_1 = arith.constant 632 : i32
    %mul3A_2 = arith.muli %arg1, %mul3A_1 : i32
    %eq3A = arith.constant 0 : i32
    %eq3A_3 = arith.cmpi eq, %arg0, %eq3A : i32
    %convert_element_type3A = arith.extui %eq3A_3 : i1 to i32
    %cond3A = arith.constant 0 : i32
    %cond3A_4 = arith.cmpi ne, %convert_element_type3A, %cond3A : i32
    scf.if %cond3A_4 {
      "tpu.region"() ({
        %run_scoped3A = tpu.sem_alloc : memref<!tpu.dma_semaphore, #tpu.memory_space<semaphore_mem>>
        %dma_start3A = arith.constant 0 : i32
        %dma_start3A_16 = tpu.memref_slice %arg11[%mul3A_2, %dma_start3A] : memref<10112x128xf32, #tpu.memory_space<vmem_shared>> -> memref<632x128xf32, #tpu.memory_space<vmem_shared>>
        %dma_start3A_17 = arith.constant 0 : i32
        %dma_start3A_18 = tpu.memref_slice %arg2[%mul3A_2, %dma_start3A_17] : memref<10112x128xf32, #tpu.memory_space<hbm>> -> memref<632x128xf32, #tpu.memory_space<hbm>>
        tpu.enqueue_dma source(%dma_start3A_18 : memref<632x128xf32, #tpu.memory_space<hbm>>) target(%dma_start3A_16 : memref<632x128xf32, #tpu.memory_space<vmem_shared>>) target_semaphore(%run_scoped3A : memref<!tpu.dma_semaphore, #tpu.memory_space<semaphore_mem>>)
        %dma_wait3A = arith.constant 0 : i32
        %dma_wait3A_19 = tpu.memref_slice %arg11[%mul3A_2, %dma_wait3A] : memref<10112x128xf32, #tpu.memory_space<vmem_shared>> -> memref<632x128xf32, #tpu.memory_space<vmem_shared>>
        %dma_wait3A_20 = arith.constant 0 : i32
        %dma_wait3A_21 = tpu.memref_slice %arg2[%mul3A_2, %dma_wait3A_20] : memref<10112x128xf32, #tpu.memory_space<hbm>> -> memref<632x128xf32, #tpu.memory_space<hbm>>
        tpu.wait_dma2 semaphore(%run_scoped3A : memref<!tpu.dma_semaphore, #tpu.memory_space<semaphore_mem>>) src(%dma_wait3A_21 : memref<632x128xf32, #tpu.memory_space<hbm>>) dst(%dma_wait3A_19 : memref<632x128xf32, #tpu.memory_space<vmem_shared>>)
        tpu.yield
      }) : () -> ()
    } else {
    }
    %eq3A_5 = arith.constant 1 : i32
    %eq3A_6 = arith.cmpi eq, %arg0, %eq3A_5 : i32
    %convert_element_type3A_7 = arith.extui %eq3A_6 : i1 to i32
    %cond3A_8 = arith.constant 0 : i32
    %cond3A_9 = arith.cmpi ne, %convert_element_type3A_7, %cond3A_8 : i32
    scf.if %cond3A_9 {
      "tpu.region"() ({
        %run_scoped3A = tpu.sem_alloc : memref<!tpu.dma_semaphore, #tpu.memory_space<semaphore_mem>>
        %dma_start3A = arith.constant 0 : i32
        %dma_start3A_16 = tpu.memref_slice %arg11[%mul3A_2, %dma_start3A] : memref<10112x128xf32, #tpu.memory_space<vmem_shared>> -> memref<632x128xf32, #tpu.memory_space<vmem_shared>>
        %dma_start3A_17 = arith.constant 0 : i32
        %dma_start3A_18 = tpu.memref_slice %arg5[%mul3A_2, %dma_start3A_17] : memref<10112x128xf32, #tpu.memory_space<hbm>> -> memref<632x128xf32, #tpu.memory_space<hbm>>
        tpu.enqueue_dma source(%dma_start3A_18 : memref<632x128xf32, #tpu.memory_space<hbm>>) target(%dma_start3A_16 : memref<632x128xf32, #tpu.memory_space<vmem_shared>>) target_semaphore(%run_scoped3A : memref<!tpu.dma_semaphore, #tpu.memory_space<semaphore_mem>>)
        %dma_wait3A = arith.constant 0 : i32
        %dma_wait3A_19 = tpu.memref_slice %arg11[%mul3A_2, %dma_wait3A] : memref<10112x128xf32, #tpu.memory_space<vmem_shared>> -> memref<632x128xf32, #tpu.memory_space<vmem_shared>>
        %dma_wait3A_20 = arith.constant 0 : i32
        %dma_wait3A_21 = tpu.memref_slice %arg5[%mul3A_2, %dma_wait3A_20] : memref<10112x128xf32, #tpu.memory_space<hbm>> -> memref<632x128xf32, #tpu.memory_space<hbm>>
        tpu.wait_dma2 semaphore(%run_scoped3A : memref<!tpu.dma_semaphore, #tpu.memory_space<semaphore_mem>>) src(%dma_wait3A_21 : memref<632x128xf32, #tpu.memory_space<hbm>>) dst(%dma_wait3A_19 : memref<632x128xf32, #tpu.memory_space<vmem_shared>>)
        tpu.yield
      }) : () -> ()
    } else {
    }
    %barrier3A = arith.constant 0 : index
    tpu.barrier barrier_id(%barrier3A)
    %scan3A = arith.constant 0 : i32
    %scan3A_10 = arith.constant 0 : i32
    %scan3A_11 = arith.constant 80 : i32
    %scan3A_12 = arith.addi %scan3A_10, %scan3A_11 : i32
    %scan3A_13 = arith.constant 1 : i32
    scf.for %scan3A_16 = %scan3A_10 to %scan3A_12 step %scan3A_13  : i32 {
      %mul3A_17 = arith.constant 80 : i32
      %mul3A_18 = arith.muli %add3A, %mul3A_17 : i32
      %add3A_19 = arith.addi %mul3A_18, %scan3A_16 : i32
      %mul3A_20 = arith.constant 128 : i32
      %mul3A_21 = arith.muli %add3A_19, %mul3A_20 : i32
      "tpu.region"() ({
        %run_scoped3A = tpu.sem_alloc : memref<!tpu.dma_semaphore, #tpu.memory_space<semaphore_mem>>
        %dma_start3A_26 = tpu.memref_slice %arg3[%mul3A_21] : memref<327680xi32, #tpu.memory_space<hbm>> -> memref<128xi32, #tpu.memory_space<hbm>>
        %dma_start3A_27 = tpu.memref_slice %arg3[%mul3A_21] : memref<327680xi32, #tpu.memory_space<hbm>> -> memref<128xi32, #tpu.memory_space<hbm>>
        tpu.enqueue_dma source(%dma_start3A_27 : memref<128xi32, #tpu.memory_space<hbm>>) target(%arg7 : memref<128xi32, #tpu.memory_space<vmem>>) target_semaphore(%run_scoped3A : memref<!tpu.dma_semaphore, #tpu.memory_space<semaphore_mem>>)
        %dma_wait3A_28 = tpu.memref_slice %arg3[%mul3A_21] : memref<327680xi32, #tpu.memory_space<hbm>> -> memref<128xi32, #tpu.memory_space<hbm>>
        %dma_wait3A_29 = tpu.memref_slice %arg3[%mul3A_21] : memref<327680xi32, #tpu.memory_space<hbm>> -> memref<128xi32, #tpu.memory_space<hbm>>
        tpu.wait_dma2 semaphore(%run_scoped3A : memref<!tpu.dma_semaphore, #tpu.memory_space<semaphore_mem>>) src(%dma_wait3A_29 : memref<128xi32, #tpu.memory_space<hbm>>) dst(%arg7 : memref<128xi32, #tpu.memory_space<vmem>>)
        tpu.yield
      }) : () -> ()
      "tpu.region"() ({
        %run_scoped3A = tpu.sem_alloc : memref<!tpu.dma_semaphore, #tpu.memory_space<semaphore_mem>>
        %dma_start3A_26 = tpu.memref_slice %arg4[%mul3A_21] : memref<327680xi32, #tpu.memory_space<hbm>> -> memref<128xi32, #tpu.memory_space<hbm>>
        %dma_start3A_27 = tpu.memref_slice %arg4[%mul3A_21] : memref<327680xi32, #tpu.memory_space<hbm>> -> memref<128xi32, #tpu.memory_space<hbm>>
        tpu.enqueue_dma source(%dma_start3A_27 : memref<128xi32, #tpu.memory_space<hbm>>) target(%arg8 : memref<128xi32, #tpu.memory_space<vmem>>) target_semaphore(%run_scoped3A : memref<!tpu.dma_semaphore, #tpu.memory_space<semaphore_mem>>)
        %dma_wait3A_28 = tpu.memref_slice %arg4[%mul3A_21] : memref<327680xi32, #tpu.memory_space<hbm>> -> memref<128xi32, #tpu.memory_space<hbm>>
        %dma_wait3A_29 = tpu.memref_slice %arg4[%mul3A_21] : memref<327680xi32, #tpu.memory_space<hbm>> -> memref<128xi32, #tpu.memory_space<hbm>>
        tpu.wait_dma2 semaphore(%run_scoped3A : memref<!tpu.dma_semaphore, #tpu.memory_space<semaphore_mem>>) src(%dma_wait3A_29 : memref<128xi32, #tpu.memory_space<hbm>>) dst(%arg8 : memref<128xi32, #tpu.memory_space<vmem>>)
        tpu.yield
      }) : () -> ()
      %dma_start3A = arith.constant 0 : i32
      %dma_start3A_22 = arith.constant 0 : i32
      %dma_start3A_23 = tpu.memref_slice %arg2[%dma_start3A, %dma_start3A_22] : memref<10112x128xf32, #tpu.memory_space<hbm>> -> memref<10112x128xf32, #tpu.memory_space<hbm>>
      tpu.enqueue_indirect_dma source(%dma_start3A_23 : memref<10112x128xf32, #tpu.memory_space<hbm>>) target(%arg9 : memref<128x128xf32, #tpu.memory_space<vmem>>) offsets(%arg7 : memref<128xi32, #tpu.memory_space<vmem>>) semaphore(%arg10 : memref<!tpu.dma_semaphore, #tpu.memory_space<semaphore_mem>>)
      %dma_wait3A = arith.constant 0 : i32
      %dma_wait3A_24 = arith.constant 0 : i32
      %dma_wait3A_25 = tpu.memref_slice %arg2[%dma_wait3A, %dma_wait3A_24] : memref<10112x128xf32, #tpu.memory_space<hbm>> -> memref<10112x128xf32, #tpu.memory_space<hbm>>
      tpu.wait_indirect_dma semaphore(%arg10 : memref<!tpu.dma_semaphore, #tpu.memory_space<semaphore_mem>>) src(%dma_wait3A_25 : memref<10112x128xf32, #tpu.memory_space<hbm>>) dst(%arg9 : memref<128x128xf32, #tpu.memory_space<vmem>>)
      "tpu.region"() ({
        %run_scoped3A = tpu.sem_alloc : memref<!tpu.dma_semaphore, #tpu.memory_space<semaphore_mem>>
        %dma_start3A_26 = arith.constant 0 : i32
        %dma_start3A_27 = arith.constant 0 : i32
        %dma_start3A_28 = tpu.memref_slice %arg11[%dma_start3A_26, %dma_start3A_27] : memref<10112x128xf32, #tpu.memory_space<vmem_shared>> -> memref<10112x128xf32, #tpu.memory_space<vmem_shared>>
        tpu.enqueue_indirect_dma source(%arg9 : memref<128x128xf32, #tpu.memory_space<vmem>>) target(%dma_start3A_28 : memref<10112x128xf32, #tpu.memory_space<vmem_shared>>) offsets(%arg8 : memref<128xi32, #tpu.memory_space<vmem>>) semaphore(%run_scoped3A : memref<!tpu.dma_semaphore, #tpu.memory_space<semaphore_mem>>) {add = true}
        %dma_wait3A_29 = arith.constant 0 : i32
        %dma_wait3A_30 = arith.constant 0 : i32
        %dma_wait3A_31 = tpu.memref_slice %arg11[%dma_wait3A_29, %dma_wait3A_30] : memref<10112x128xf32, #tpu.memory_space<vmem_shared>> -> memref<10112x128xf32, #tpu.memory_space<vmem_shared>>
        tpu.wait_indirect_dma semaphore(%run_scoped3A : memref<!tpu.dma_semaphore, #tpu.memory_space<semaphore_mem>>) src(%arg9 : memref<128x128xf32, #tpu.memory_space<vmem>>) dst(%dma_wait3A_31 : memref<10112x128xf32, #tpu.memory_space<vmem_shared>>)
        tpu.yield
      }) : () -> ()
    }
    %scan3A_14 = arith.constant 80 : i32
    %barrier3A_15 = arith.constant 0 : index
    tpu.barrier barrier_id(%barrier3A_15)
    "tpu.region"() ({
      %run_scoped3A = tpu.sem_alloc : memref<!tpu.dma_semaphore, #tpu.memory_space<semaphore_mem>>
      %dma_start3A = arith.constant 0 : i32
      %dma_start3A_16 = arith.constant 0 : i32
      %dma_start3A_17 = tpu.memref_slice %arg6[%arg0, %dma_start3A, %dma_start3A_16] : memref<2x10112x128xf32, #tpu.memory_space<hbm>> -> memref<1x10112x128xf32, #tpu.memory_space<hbm>>
      %dma_start3A_18 = tpu.memref_squeeze %dma_start3A_17 : memref<1x10112x128xf32, #tpu.memory_space<hbm>> -> memref<10112x128xf32, #tpu.memory_space<hbm>>
      %dma_start3A_19 = arith.constant 0 : i32
      %dma_start3A_20 = tpu.memref_slice %dma_start3A_18[%mul3A_2, %dma_start3A_19] : memref<10112x128xf32, #tpu.memory_space<hbm>> -> memref<632x128xf32, #tpu.memory_space<hbm>>
      %dma_start3A_21 = arith.constant 0 : i32
      %dma_start3A_22 = tpu.memref_slice %arg11[%mul3A_2, %dma_start3A_21] : memref<10112x128xf32, #tpu.memory_space<vmem_shared>> -> memref<632x128xf32, #tpu.memory_space<vmem_shared>>
      tpu.enqueue_dma source(%dma_start3A_22 : memref<632x128xf32, #tpu.memory_space<vmem_shared>>) target(%dma_start3A_20 : memref<632x128xf32, #tpu.memory_space<hbm>>) target_semaphore(%run_scoped3A : memref<!tpu.dma_semaphore, #tpu.memory_space<semaphore_mem>>)
      %dma_wait3A = arith.constant 0 : i32
      %dma_wait3A_23 = arith.constant 0 : i32
      %dma_wait3A_24 = tpu.memref_slice %arg6[%arg0, %dma_wait3A, %dma_wait3A_23] : memref<2x10112x128xf32, #tpu.memory_space<hbm>> -> memref<1x10112x128xf32, #tpu.memory_space<hbm>>
      %dma_wait3A_25 = tpu.memref_squeeze %dma_wait3A_24 : memref<1x10112x128xf32, #tpu.memory_space<hbm>> -> memref<10112x128xf32, #tpu.memory_space<hbm>>
      %dma_wait3A_26 = arith.constant 0 : i32
      %dma_wait3A_27 = tpu.memref_slice %dma_wait3A_25[%mul3A_2, %dma_wait3A_26] : memref<10112x128xf32, #tpu.memory_space<hbm>> -> memref<632x128xf32, #tpu.memory_space<hbm>>
      %dma_wait3A_28 = arith.constant 0 : i32
      %dma_wait3A_29 = tpu.memref_slice %arg11[%mul3A_2, %dma_wait3A_28] : memref<10112x128xf32, #tpu.memory_space<vmem_shared>> -> memref<632x128xf32, #tpu.memory_space<vmem_shared>>
      tpu.wait_dma2 semaphore(%run_scoped3A : memref<!tpu.dma_semaphore, #tpu.memory_space<semaphore_mem>>) src(%dma_wait3A_29 : memref<632x128xf32, #tpu.memory_space<vmem_shared>>) dst(%dma_wait3A_27 : memref<632x128xf32, #tpu.memory_space<hbm>>)
      tpu.yield
    }) : () -> ()
    return
  }
}

#map = affine_map<(d0, d1) -> (0, 0)>
#map1 = affine_map<(d0, d1) -> (0)>
#map2 = affine_map<(d0, d1) -> (0, 0, 0)>
module attributes {stable_mosaic.version = 14 : i64} {
  func.func @_round_kernel(%arg0: i32, %arg1: i32, %arg2: memref<10112x128xf32, #tpu.memory_space<hbm>>, %arg3: memref<327680xi32, #tpu.memory_space<hbm>>, %arg4: memref<327680xi32, #tpu.memory_space<hbm>>, %arg5: memref<10112x128xf32, #tpu.memory_space<hbm>>, %arg6: memref<2x10112x128xf32, #tpu.memory_space<hbm>>, %arg7: memref<128xi32, #tpu.memory_space<vmem>>, %arg8: memref<128xi32, #tpu.memory_space<vmem>>, %arg9: memref<128x128xf32, #tpu.memory_space<vmem>>, %arg10: memref<!tpu.dma_semaphore, #tpu.memory_space<semaphore_mem>>, %arg11: memref<10112x128xf32, #tpu.memory_space<vmem_shared>>) attributes {dimension_semantics = [#tpu.dimension_semantics<core_parallel>, #tpu.dimension_semantics<subcore_parallel>], iteration_bounds = array<i64: 2, 16>, scalar_prefetch = 0 : i64, scratch_operands = 5 : i64, tpu.core_type = #tpu.core_type<sc_vector_subcore>, window_params = [{transform_indices = #map}, {transform_indices = #map1}, {transform_indices = #map1}, {transform_indices = #map}, {transform_indices = #map2}]} {
    %mul3A = arith.constant 16 : i32
    %mul3A_0 = arith.muli %arg0, %mul3A : i32
    %add3A = arith.addi %mul3A_0, %arg1 : i32
    %mul3A_1 = arith.constant 632 : i32
    %mul3A_2 = arith.muli %arg1, %mul3A_1 : i32
    %eq3A = arith.constant 0 : i32
    %eq3A_3 = arith.cmpi eq, %arg0, %eq3A : i32
    %convert_element_type3A = arith.extui %eq3A_3 : i1 to i32
    %cond3A = arith.constant 0 : i32
    %cond3A_4 = arith.cmpi ne, %convert_element_type3A, %cond3A : i32
    scf.if %cond3A_4 {
      "tpu.region"() ({
        %run_scoped3A = tpu.sem_alloc : memref<!tpu.dma_semaphore, #tpu.memory_space<semaphore_mem>>
        %dma_start3A = arith.constant 0 : i32
        %dma_start3A_16 = tpu.memref_slice %arg11[%mul3A_2, %dma_start3A] : memref<10112x128xf32, #tpu.memory_space<vmem_shared>> -> memref<632x128xf32, #tpu.memory_space<vmem_shared>>
        %dma_start3A_17 = arith.constant 0 : i32
        %dma_start3A_18 = tpu.memref_slice %arg2[%mul3A_2, %dma_start3A_17] : memref<10112x128xf32, #tpu.memory_space<hbm>> -> memref<632x128xf32, #tpu.memory_space<hbm>>
        tpu.enqueue_dma source(%dma_start3A_18 : memref<632x128xf32, #tpu.memory_space<hbm>>) target(%dma_start3A_16 : memref<632x128xf32, #tpu.memory_space<vmem_shared>>) target_semaphore(%run_scoped3A : memref<!tpu.dma_semaphore, #tpu.memory_space<semaphore_mem>>)
        %dma_wait3A = arith.constant 0 : i32
        %dma_wait3A_19 = tpu.memref_slice %arg11[%mul3A_2, %dma_wait3A] : memref<10112x128xf32, #tpu.memory_space<vmem_shared>> -> memref<632x128xf32, #tpu.memory_space<vmem_shared>>
        %dma_wait3A_20 = arith.constant 0 : i32
        %dma_wait3A_21 = tpu.memref_slice %arg2[%mul3A_2, %dma_wait3A_20] : memref<10112x128xf32, #tpu.memory_space<hbm>> -> memref<632x128xf32, #tpu.memory_space<hbm>>
        tpu.wait_dma2 semaphore(%run_scoped3A : memref<!tpu.dma_semaphore, #tpu.memory_space<semaphore_mem>>) src(%dma_wait3A_21 : memref<632x128xf32, #tpu.memory_space<hbm>>) dst(%dma_wait3A_19 : memref<632x128xf32, #tpu.memory_space<vmem_shared>>)
        tpu.yield
      }) : () -> ()
    } else {
    }
    %eq3A_5 = arith.constant 1 : i32
    %eq3A_6 = arith.cmpi eq, %arg0, %eq3A_5 : i32
    %convert_element_type3A_7 = arith.extui %eq3A_6 : i1 to i32
    %cond3A_8 = arith.constant 0 : i32
    %cond3A_9 = arith.cmpi ne, %convert_element_type3A_7, %cond3A_8 : i32
    scf.if %cond3A_9 {
      "tpu.region"() ({
        %run_scoped3A = tpu.sem_alloc : memref<!tpu.dma_semaphore, #tpu.memory_space<semaphore_mem>>
        %dma_start3A = arith.constant 0 : i32
        %dma_start3A_16 = tpu.memref_slice %arg11[%mul3A_2, %dma_start3A] : memref<10112x128xf32, #tpu.memory_space<vmem_shared>> -> memref<632x128xf32, #tpu.memory_space<vmem_shared>>
        %dma_start3A_17 = arith.constant 0 : i32
        %dma_start3A_18 = tpu.memref_slice %arg5[%mul3A_2, %dma_start3A_17] : memref<10112x128xf32, #tpu.memory_space<hbm>> -> memref<632x128xf32, #tpu.memory_space<hbm>>
        tpu.enqueue_dma source(%dma_start3A_18 : memref<632x128xf32, #tpu.memory_space<hbm>>) target(%dma_start3A_16 : memref<632x128xf32, #tpu.memory_space<vmem_shared>>) target_semaphore(%run_scoped3A : memref<!tpu.dma_semaphore, #tpu.memory_space<semaphore_mem>>)
        %dma_wait3A = arith.constant 0 : i32
        %dma_wait3A_19 = tpu.memref_slice %arg11[%mul3A_2, %dma_wait3A] : memref<10112x128xf32, #tpu.memory_space<vmem_shared>> -> memref<632x128xf32, #tpu.memory_space<vmem_shared>>
        %dma_wait3A_20 = arith.constant 0 : i32
        %dma_wait3A_21 = tpu.memref_slice %arg5[%mul3A_2, %dma_wait3A_20] : memref<10112x128xf32, #tpu.memory_space<hbm>> -> memref<632x128xf32, #tpu.memory_space<hbm>>
        tpu.wait_dma2 semaphore(%run_scoped3A : memref<!tpu.dma_semaphore, #tpu.memory_space<semaphore_mem>>) src(%dma_wait3A_21 : memref<632x128xf32, #tpu.memory_space<hbm>>) dst(%dma_wait3A_19 : memref<632x128xf32, #tpu.memory_space<vmem_shared>>)
        tpu.yield
      }) : () -> ()
    } else {
    }
    %barrier3A = arith.constant 0 : index
    tpu.barrier barrier_id(%barrier3A)
    %scan3A = arith.constant 0 : i32
    %scan3A_10 = arith.constant 0 : i32
    %scan3A_11 = arith.constant 80 : i32
    %scan3A_12 = arith.addi %scan3A_10, %scan3A_11 : i32
    %scan3A_13 = arith.constant 1 : i32
    scf.for %scan3A_16 = %scan3A_10 to %scan3A_12 step %scan3A_13  : i32 {
      %mul3A_17 = arith.constant 80 : i32
      %mul3A_18 = arith.muli %add3A, %mul3A_17 : i32
      %add3A_19 = arith.addi %mul3A_18, %scan3A_16 : i32
      %mul3A_20 = arith.constant 128 : i32
      %mul3A_21 = arith.muli %add3A_19, %mul3A_20 : i32
      "tpu.region"() ({
        %run_scoped3A = tpu.sem_alloc : memref<!tpu.dma_semaphore, #tpu.memory_space<semaphore_mem>>
        %dma_start3A_26 = tpu.memref_slice %arg3[%mul3A_21] : memref<327680xi32, #tpu.memory_space<hbm>> -> memref<128xi32, #tpu.memory_space<hbm>>
        %dma_start3A_27 = tpu.memref_slice %arg3[%mul3A_21] : memref<327680xi32, #tpu.memory_space<hbm>> -> memref<128xi32, #tpu.memory_space<hbm>>
        tpu.enqueue_dma source(%dma_start3A_27 : memref<128xi32, #tpu.memory_space<hbm>>) target(%arg7 : memref<128xi32, #tpu.memory_space<vmem>>) target_semaphore(%run_scoped3A : memref<!tpu.dma_semaphore, #tpu.memory_space<semaphore_mem>>)
        %dma_wait3A_28 = tpu.memref_slice %arg3[%mul3A_21] : memref<327680xi32, #tpu.memory_space<hbm>> -> memref<128xi32, #tpu.memory_space<hbm>>
        %dma_wait3A_29 = tpu.memref_slice %arg3[%mul3A_21] : memref<327680xi32, #tpu.memory_space<hbm>> -> memref<128xi32, #tpu.memory_space<hbm>>
        tpu.wait_dma2 semaphore(%run_scoped3A : memref<!tpu.dma_semaphore, #tpu.memory_space<semaphore_mem>>) src(%dma_wait3A_29 : memref<128xi32, #tpu.memory_space<hbm>>) dst(%arg7 : memref<128xi32, #tpu.memory_space<vmem>>)
        tpu.yield
      }) : () -> ()
      "tpu.region"() ({
        %run_scoped3A = tpu.sem_alloc : memref<!tpu.dma_semaphore, #tpu.memory_space<semaphore_mem>>
        %dma_start3A_26 = tpu.memref_slice %arg4[%mul3A_21] : memref<327680xi32, #tpu.memory_space<hbm>> -> memref<128xi32, #tpu.memory_space<hbm>>
        %dma_start3A_27 = tpu.memref_slice %arg4[%mul3A_21] : memref<327680xi32, #tpu.memory_space<hbm>> -> memref<128xi32, #tpu.memory_space<hbm>>
        tpu.enqueue_dma source(%dma_start3A_27 : memref<128xi32, #tpu.memory_space<hbm>>) target(%arg8 : memref<128xi32, #tpu.memory_space<vmem>>) target_semaphore(%run_scoped3A : memref<!tpu.dma_semaphore, #tpu.memory_space<semaphore_mem>>)
        %dma_wait3A_28 = tpu.memref_slice %arg4[%mul3A_21] : memref<327680xi32, #tpu.memory_space<hbm>> -> memref<128xi32, #tpu.memory_space<hbm>>
        %dma_wait3A_29 = tpu.memref_slice %arg4[%mul3A_21] : memref<327680xi32, #tpu.memory_space<hbm>> -> memref<128xi32, #tpu.memory_space<hbm>>
        tpu.wait_dma2 semaphore(%run_scoped3A : memref<!tpu.dma_semaphore, #tpu.memory_space<semaphore_mem>>) src(%dma_wait3A_29 : memref<128xi32, #tpu.memory_space<hbm>>) dst(%arg8 : memref<128xi32, #tpu.memory_space<vmem>>)
        tpu.yield
      }) : () -> ()
      %dma_start3A = arith.constant 0 : i32
      %dma_start3A_22 = arith.constant 0 : i32
      %dma_start3A_23 = tpu.memref_slice %arg2[%dma_start3A, %dma_start3A_22] : memref<10112x128xf32, #tpu.memory_space<hbm>> -> memref<10112x128xf32, #tpu.memory_space<hbm>>
      tpu.enqueue_indirect_dma source(%dma_start3A_23 : memref<10112x128xf32, #tpu.memory_space<hbm>>) target(%arg9 : memref<128x128xf32, #tpu.memory_space<vmem>>) offsets(%arg7 : memref<128xi32, #tpu.memory_space<vmem>>) semaphore(%arg10 : memref<!tpu.dma_semaphore, #tpu.memory_space<semaphore_mem>>)
      %dma_wait3A = arith.constant 0 : i32
      %dma_wait3A_24 = arith.constant 0 : i32
      %dma_wait3A_25 = tpu.memref_slice %arg2[%dma_wait3A, %dma_wait3A_24] : memref<10112x128xf32, #tpu.memory_space<hbm>> -> memref<10112x128xf32, #tpu.memory_space<hbm>>
      tpu.wait_indirect_dma semaphore(%arg10 : memref<!tpu.dma_semaphore, #tpu.memory_space<semaphore_mem>>) src(%dma_wait3A_25 : memref<10112x128xf32, #tpu.memory_space<hbm>>) dst(%arg9 : memref<128x128xf32, #tpu.memory_space<vmem>>)
      "tpu.region"() ({
        %run_scoped3A = tpu.sem_alloc : memref<!tpu.dma_semaphore, #tpu.memory_space<semaphore_mem>>
        %dma_start3A_26 = arith.constant 0 : i32
        %dma_start3A_27 = arith.constant 0 : i32
        %dma_start3A_28 = tpu.memref_slice %arg11[%dma_start3A_26, %dma_start3A_27] : memref<10112x128xf32, #tpu.memory_space<vmem_shared>> -> memref<10112x128xf32, #tpu.memory_space<vmem_shared>>
        tpu.enqueue_indirect_dma source(%arg9 : memref<128x128xf32, #tpu.memory_space<vmem>>) target(%dma_start3A_28 : memref<10112x128xf32, #tpu.memory_space<vmem_shared>>) offsets(%arg8 : memref<128xi32, #tpu.memory_space<vmem>>) semaphore(%run_scoped3A : memref<!tpu.dma_semaphore, #tpu.memory_space<semaphore_mem>>) {add = true}
        %dma_wait3A_29 = arith.constant 0 : i32
        %dma_wait3A_30 = arith.constant 0 : i32
        %dma_wait3A_31 = tpu.memref_slice %arg11[%dma_wait3A_29, %dma_wait3A_30] : memref<10112x128xf32, #tpu.memory_space<vmem_shared>> -> memref<10112x128xf32, #tpu.memory_space<vmem_shared>>
        tpu.wait_indirect_dma semaphore(%run_scoped3A : memref<!tpu.dma_semaphore, #tpu.memory_space<semaphore_mem>>) src(%arg9 : memref<128x128xf32, #tpu.memory_space<vmem>>) dst(%dma_wait3A_31 : memref<10112x128xf32, #tpu.memory_space<vmem_shared>>)
        tpu.yield
      }) : () -> ()
    }
    %scan3A_14 = arith.constant 80 : i32
    %barrier3A_15 = arith.constant 0 : index
    tpu.barrier barrier_id(%barrier3A_15)
    "tpu.region"() ({
      %run_scoped3A = tpu.sem_alloc : memref<!tpu.dma_semaphore, #tpu.memory_space<semaphore_mem>>
      %dma_start3A = arith.constant 0 : i32
      %dma_start3A_16 = arith.constant 0 : i32
      %dma_start3A_17 = tpu.memref_slice %arg6[%arg0, %dma_start3A, %dma_start3A_16] : memref<2x10112x128xf32, #tpu.memory_space<hbm>> -> memref<1x10112x128xf32, #tpu.memory_space<hbm>>
      %dma_start3A_18 = tpu.memref_squeeze %dma_start3A_17 : memref<1x10112x128xf32, #tpu.memory_space<hbm>> -> memref<10112x128xf32, #tpu.memory_space<hbm>>
      %dma_start3A_19 = arith.constant 0 : i32
      %dma_start3A_20 = tpu.memref_slice %dma_start3A_18[%mul3A_2, %dma_start3A_19] : memref<10112x128xf32, #tpu.memory_space<hbm>> -> memref<632x128xf32, #tpu.memory_space<hbm>>
      %dma_start3A_21 = arith.constant 0 : i32
      %dma_start3A_22 = tpu.memref_slice %arg11[%mul3A_2, %dma_start3A_21] : memref<10112x128xf32, #tpu.memory_space<vmem_shared>> -> memref<632x128xf32, #tpu.memory_space<vmem_shared>>
      tpu.enqueue_dma source(%dma_start3A_22 : memref<632x128xf32, #tpu.memory_space<vmem_shared>>) target(%dma_start3A_20 : memref<632x128xf32, #tpu.memory_space<hbm>>) target_semaphore(%run_scoped3A : memref<!tpu.dma_semaphore, #tpu.memory_space<semaphore_mem>>)
      %dma_wait3A = arith.constant 0 : i32
      %dma_wait3A_23 = arith.constant 0 : i32
      %dma_wait3A_24 = tpu.memref_slice %arg6[%arg0, %dma_wait3A, %dma_wait3A_23] : memref<2x10112x128xf32, #tpu.memory_space<hbm>> -> memref<1x10112x128xf32, #tpu.memory_space<hbm>>
      %dma_wait3A_25 = tpu.memref_squeeze %dma_wait3A_24 : memref<1x10112x128xf32, #tpu.memory_space<hbm>> -> memref<10112x128xf32, #tpu.memory_space<hbm>>
      %dma_wait3A_26 = arith.constant 0 : i32
      %dma_wait3A_27 = tpu.memref_slice %dma_wait3A_25[%mul3A_2, %dma_wait3A_26] : memref<10112x128xf32, #tpu.memory_space<hbm>> -> memref<632x128xf32, #tpu.memory_space<hbm>>
      %dma_wait3A_28 = arith.constant 0 : i32
      %dma_wait3A_29 = tpu.memref_slice %arg11[%mul3A_2, %dma_wait3A_28] : memref<10112x128xf32, #tpu.memory_space<vmem_shared>> -> memref<632x128xf32, #tpu.memory_space<vmem_shared>>
      tpu.wait_dma2 semaphore(%run_scoped3A : memref<!tpu.dma_semaphore, #tpu.memory_space<semaphore_mem>>) src(%dma_wait3A_29 : memref<632x128xf32, #tpu.memory_space<vmem_shared>>) dst(%dma_wait3A_27 : memref<632x128xf32, #tpu.memory_space<hbm>>)
      tpu.yield
    }) : () -> ()
    return
  }
}

module attributes {stable_mosaic.version = 14 : i64} {
  func.func @_prep_body(%arg0: memref<10112x128xf32, #tpu.memory_space<vmem>>, %arg1: memref<2x10112x128xf32, #tpu.memory_space<vmem>>, %arg2: memref<10112x128xf32, #tpu.memory_space<vmem>>, %arg3: memref<10112x1xf32, #tpu.memory_space<vmem>>, %arg4: memref<10112x1xf32, #tpu.memory_space<vmem>>) attributes {dimension_semantics = [], scalar_prefetch = 0 : i64, scratch_operands = 0 : i64, tpu.core_type = #tpu.core_type<tc>} {
    %get3A = arith.constant 0 : index
    %get3A_0 = arith.constant 0 : index
    %get3A_1 = arith.constant 0 : index
    %get3A_2 = vector.load %arg1[%get3A, %get3A_0, %get3A_1] : memref<2x10112x128xf32, #tpu.memory_space<vmem>>, vector<1x10112x1xf32>
    %get3A_3 = vector.shape_cast %get3A_2 : vector<1x10112x1xf32> to vector<10112x1xf32>
    %get3A_4 = arith.constant 1 : index
    %get3A_5 = arith.constant 0 : index
    %get3A_6 = arith.constant 0 : index
    %get3A_7 = vector.load %arg1[%get3A_4, %get3A_5, %get3A_6] : memref<2x10112x128xf32, #tpu.memory_space<vmem>>, vector<1x10112x1xf32>
    %get3A_8 = vector.shape_cast %get3A_7 : vector<1x10112x1xf32> to vector<10112x1xf32>
    %add3A = arith.addf %get3A_3, %get3A_8 : vector<10112x1xf32>
    %add3A_9 = arith.constant 1.000000e+00 : f32
    %add3A_10 = vector.broadcast %add3A_9 : f32 to vector<10112x1xf32>
    %add3A_11 = arith.addf %add3A, %add3A_10 : vector<10112x1xf32>
    %iota3A = tpu.iota {dimensions = array<i32: 0>} : vector<10112x1xi32>
    %lt3A = arith.constant 10000 : i32
    %lt3A_12 = vector.broadcast %lt3A : i32 to vector<10112x1xi32>
    %lt3A_13 = arith.cmpi slt, %iota3A, %lt3A_12 : vector<10112x1xi32>
    %rsqrt3A = math.rsqrt %add3A_11 : vector<10112x1xf32>
    %jit3A = arith.constant 0.000000e+00 : f32
    %broadcast_in_dim3A = vector.broadcast %jit3A : f32 to vector<10112x1xf32>
    %select_n3A = arith.select %lt3A_13, %rsqrt3A, %broadcast_in_dim3A : vector<10112x1xi1>, vector<10112x1xf32>
    %get3A_14 = arith.constant 0 : index
    %get3A_15 = arith.constant 0 : index
    %get3A_16 = vector.load %arg0[%get3A_14, %get3A_15] : memref<10112x128xf32, #tpu.memory_space<vmem>>, vector<10112x128xf32>
    %mul3A = vector.broadcast %select_n3A : vector<10112x1xf32> to vector<10112x128xf32>
    %mul3A_17 = arith.mulf %mul3A, %get3A_16 : vector<10112x128xf32>
    %swap3A = arith.constant 0 : index
    %swap3A_18 = arith.constant 0 : index
    %swap3A_19 = vector.load %arg2[%swap3A, %swap3A_18] : memref<10112x128xf32, #tpu.memory_space<vmem>>, vector<10112x128xf32>
    tpu.vector_store %arg2[%swap3A, %swap3A_18], %mul3A_17 {strides = array<i32>} : memref<10112x128xf32, #tpu.memory_space<vmem>>, vector<10112x128xf32>,
    %swap3A_20 = arith.constant 0 : index
    %swap3A_21 = arith.constant 0 : index
    %swap3A_22 = vector.load %arg3[%swap3A_20, %swap3A_21] : memref<10112x1xf32, #tpu.memory_space<vmem>>, vector<10112x1xf32>
    tpu.vector_store %arg3[%swap3A_20, %swap3A_21], %select_n3A {strides = array<i32>} : memref<10112x1xf32, #tpu.memory_space<vmem>>, vector<10112x1xf32>,
    %mul3A_23 = arith.mulf %select_n3A, %select_n3A : vector<10112x1xf32>
    %swap3A_24 = arith.constant 0 : index
    %swap3A_25 = arith.constant 0 : index
    %swap3A_26 = vector.load %arg4[%swap3A_24, %swap3A_25] : memref<10112x1xf32, #tpu.memory_space<vmem>>, vector<10112x1xf32>
    tpu.vector_store %arg4[%swap3A_24, %swap3A_25], %mul3A_23 {strides = array<i32>} : memref<10112x1xf32, #tpu.memory_space<vmem>>, vector<10112x1xf32>,
    return
  }
}

module attributes {stable_mosaic.version = 14 : i64} {
  func.func @_scale_body(%arg0: memref<2x10112x128xf32, #tpu.memory_space<vmem>>, %arg1: memref<10112x1xf32, #tpu.memory_space<vmem>>, %arg2: memref<10112x128xf32, #tpu.memory_space<vmem>>) attributes {dimension_semantics = [], scalar_prefetch = 0 : i64, scratch_operands = 0 : i64, tpu.core_type = #tpu.core_type<tc>} {
    %get3A = arith.constant 0 : index
    %get3A_0 = arith.constant 0 : index
    %get3A_1 = arith.constant 0 : index
    %get3A_2 = vector.load %arg0[%get3A, %get3A_0, %get3A_1] : memref<2x10112x128xf32, #tpu.memory_space<vmem>>, vector<1x10112x128xf32>
    %get3A_3 = vector.shape_cast %get3A_2 : vector<1x10112x128xf32> to vector<10112x128xf32>
    %get3A_4 = arith.constant 1 : index
    %get3A_5 = arith.constant 0 : index
    %get3A_6 = arith.constant 0 : index
    %get3A_7 = vector.load %arg0[%get3A_4, %get3A_5, %get3A_6] : memref<2x10112x128xf32, #tpu.memory_space<vmem>>, vector<1x10112x128xf32>
    %get3A_8 = vector.shape_cast %get3A_7 : vector<1x10112x128xf32> to vector<10112x128xf32>
    %add3A = arith.addf %get3A_3, %get3A_8 : vector<10112x128xf32>
    %get3A_9 = arith.constant 0 : index
    %get3A_10 = arith.constant 0 : index
    %get3A_11 = vector.load %arg1[%get3A_9, %get3A_10] : memref<10112x1xf32, #tpu.memory_space<vmem>>, vector<10112x1xf32>
    %mul3A = vector.broadcast %get3A_11 : vector<10112x1xf32> to vector<10112x128xf32>
    %mul3A_12 = arith.mulf %add3A, %mul3A : vector<10112x128xf32>
    %swap3A = arith.constant 0 : index
    %swap3A_13 = arith.constant 0 : index
    %swap3A_14 = vector.load %arg2[%swap3A, %swap3A_13] : memref<10112x128xf32, #tpu.memory_space<vmem>>, vector<10112x128xf32>
    tpu.vector_store %arg2[%swap3A, %swap3A_13], %mul3A_12 {strides = array<i32>} : memref<10112x128xf32, #tpu.memory_space<vmem>>, vector<10112x128xf32>,
    return
  }
}

module attributes {stable_mosaic.version = 14 : i64} {
  func.func @_final_body(%arg0: memref<2x10112x128xf32, #tpu.memory_space<vmem>>, %arg1: memref<10112x1xf32, #tpu.memory_space<vmem>>, %arg2: memref<128x128xf32, #tpu.memory_space<vmem>>, %arg3: memref<1x128xf32, #tpu.memory_space<vmem>>, %arg4: memref<10000x128xf32, #tpu.memory_space<vmem>>) attributes {dimension_semantics = [], scalar_prefetch = 0 : i64, scratch_operands = 0 : i64, tpu.core_type = #tpu.core_type<tc>} {
    %get3A = arith.constant 0 : index
    %get3A_0 = arith.constant 0 : index
    %get3A_1 = arith.constant 0 : index
    %get3A_2 = vector.load %arg0[%get3A, %get3A_0, %get3A_1] : memref<2x10112x128xf32, #tpu.memory_space<vmem>>, vector<1x10112x128xf32>
    %get3A_3 = vector.shape_cast %get3A_2 : vector<1x10112x128xf32> to vector<10112x128xf32>
    %get3A_4 = arith.constant 1 : index
    %get3A_5 = arith.constant 0 : index
    %get3A_6 = arith.constant 0 : index
    %get3A_7 = vector.load %arg0[%get3A_4, %get3A_5, %get3A_6] : memref<2x10112x128xf32, #tpu.memory_space<vmem>>, vector<1x10112x128xf32>
    %get3A_8 = vector.shape_cast %get3A_7 : vector<1x10112x128xf32> to vector<10112x128xf32>
    %add3A = arith.addf %get3A_3, %get3A_8 : vector<10112x128xf32>
    %get3A_9 = arith.constant 0 : index
    %get3A_10 = arith.constant 0 : index
    %get3A_11 = vector.load %arg1[%get3A_9, %get3A_10] : memref<10112x1xf32, #tpu.memory_space<vmem>>, vector<10112x1xf32>
    %mul3A = vector.broadcast %get3A_11 : vector<10112x1xf32> to vector<10112x128xf32>
    %mul3A_12 = arith.mulf %add3A, %mul3A : vector<10112x128xf32>
    %slice3A = vector.extract_strided_slice %mul3A_12 {offsets = [0, 0], sizes = [10000, 128], strides = [1, 1]} : vector<10112x128xf32> to vector<10000x128xf32>
    %get3A_13 = arith.constant 0 : index
    %get3A_14 = arith.constant 0 : index
    %get3A_15 = vector.load %arg2[%get3A_13, %get3A_14] : memref<128x128xf32, #tpu.memory_space<vmem>>, vector<128x128xf32>
    %dot_general3A = arith.constant dense<0.000000e+00> : vector<10000x128xf32>
    %dot_general3A_16 = tpu.matmul %slice3A, %get3A_15, %dot_general3A {dimension_numbers = #tpu.dot_dimension_numbers<[1], [0], [0], [1], [0, 0, 1, 1], [], []>, transpose_lhs_hint = false} : vector<10000x128xf32>, vector<128x128xf32>, vector<10000x128xf32> -> vector<10000x128xf32>
    %get3A_17 = arith.constant 0 : index
    %get3A_18 = arith.constant 0 : index
    %get3A_19 = vector.load %arg3[%get3A_17, %get3A_18] : memref<1x128xf32, #tpu.memory_space<vmem>>, vector<1x128xf32>
    %add3A_20 = vector.broadcast %get3A_19 : vector<1x128xf32> to vector<10000x128xf32>
    %add3A_21 = arith.addf %dot_general3A_16, %add3A_20 : vector<10000x128xf32>
    %swap3A = arith.constant 0 : index
    %swap3A_22 = arith.constant 0 : index
    %swap3A_23 = vector.load %arg4[%swap3A, %swap3A_22] : memref<10000x128xf32, #tpu.memory_space<vmem>>, vector<10000x128xf32>
    tpu.vector_store %arg4[%swap3A, %swap3A_22], %add3A_21 {strides = array<i32>} : memref<10000x128xf32, #tpu.memory_space<vmem>>, vector<10000x128xf32>,
    return
  }
}

</mosaic_0001>

<sc_bundles>
// kernel: kernel.11.cloned.1.call-start
scs
__scs_entry_jumppad:
0x0: {  	(pc) =	sbr.rel $0x88, $3  }
0x1: {  	(tag) =	ssettag $0x0;
	lr =	simm.s32 $0x1  }
0x2: {  	[smem:$0x3F9D] =	sst lr;
	_ =	strace $0xD0000000  }
0x3: {  	_ = 	snop  }
0x4: {  	_ = 	snop  }
0x5: {  	_ = 	snop  }
0x6: {  	_ = 	snop  }
0x7: {  	_ = 	snop  }
__scs_overlays_trampoline_lowered:
0x8: {  	[smem:$0x3FAC] =	sst s0  }
0x9: {  	[smem:$0x3FAD] =	sst s1  }
0xa: {  	[smem:$0x3FAE] =	sst s2  }
0xb: {  	[smem:$0x3FAF] =	sst s3  }
0xc: {  	[smem:$0x3FB0] =	sst s4  }
0xd: {  	[smem:$0x3FB1] =	sst s5  }
0xe: {  	[smem:$0x3FB2] =	sst s6  }
0xf: {  	[smem:$0x3FB3] =	sst s7  }
0x10: {  	[smem:$0x3FB4] =	sst s8  }
0x11: {  	[smem:$0x3FB5] =	sst s9;
	s0 =	simm.s32 @!p0 $0x0  }
0x12: {  	s1 =	sld [smem:$0x3F9B];
	s0 =	simm.s32 @p0 $0x1  }
0x13: {  	[smem:$0x3FB6] =	sst s0;
	s0 =	simm.s32 @!p1 $0x0  }
0x14: {  	s2 =	sld [smem:$0x3F9A];
	s0 =	simm.s32 @p1 $0x1  }
0x15: {  	[smem:$0x3FB7] =	sst s0;
	s0 =	simm.s32 @!p2 $0x0  }
0x16: {  	s3 =	sld [smem:$0x3FDB];
	s0 =	simm.s32 @p2 $0x1  }
0x17: {  	s4 =	simm.s32 $0x1BF5;
	[smem:$0x3FB9] =	sst s0  }
0x18: {  	s0 =	sld [smem:$0x3F9C];
	_ =	swait.ge [sflag:s4], $0x0  }
0x19: {  	s7 =	sld [smem:$0x3F9D]  }
0x1a: {  	s8 =	sadd.s32 $0xFFFFE003, lr  }
0x1b: {  	s9 =	sadd.s32 $0xFFFFFEF7, lr;
	s5 =	simm.s32 $0xFFFFFFFF;
	p2 =	slt.u32 s8, $0xFFFFF086  }
0x1c: {  	p1 =	slt.u32 s9, $0xF7A;
	s5 =	simm.s32 @!p2 $0x0  }
0x1d: {  	s5 =	simm.s32 @p1 $0x1;
	p0 =	seq.s32 s7, s2  }
0x1e: {  	s7 =	smul.u32 @!p0 $0xF7A, s2;
	p2 =	seq.s32 @!p0 s5, $0x0  }
0x1f: {  	s9 =	smul.u32 $0xF7A, s1;
	s8 =	simm.s32 @!p0 $0x1BF5;
	p2 =	por !p2, p0  }
0x20: {  	[sflag:s8] =	ssyncset.s32 @!p0 $0xFFFFF086;
	s6 =	sadd.s32 @!p0 s3, s7;
	s7 =	simm.s32 @!p0 $0x108  }
0x21: {  	s3 =	sadd.s32 s3, s9;
	s6 =	sadd.s32 @!p0 $0x88, s6;
	s7 =	simm.s32 @p2 $0x1082  }
0x22: {  	[simem:s7], [sflag:s8] =	dma.local @!p0 [hbm:s6], $0xF7A  }
0x23: {  	s9 =	sor.u32 $0xD0000000, s2;
	s6 =	simm.s32 $0x108;
	_ =	swait.ge @!p0 [sflag:s8], $0x0  }
0x24: {  	s3 =	sadd.s32 $0x88, s3;
	s6 =	simm.s32 @!p1 $0x1082;
	[sflag:s4] =	ssyncset.s32 $0xFFFFF086  }
0x25: {  	[simem:s6], [sflag:s4] =	dma.local [hbm:s3], $0xF7A  }
0x26: {  	[smem:$0x3F9D] =	sst s1;
	(tag) =	ssettag s2;
	_ =	strace s9  }
0x27: {  	s1 =	sld [smem:$0x3FAD]  }
0x28: {  	s2 =	sld [smem:$0x3FAE]  }
0x29: {  	s4 =	sld [smem:$0x3FB0]  }
0x2a: {  	p0 =	seq.s32 s5, $0x0;
	s5 =	sld [smem:$0x3FB1]  }
0x2b: {  	s6 =	sld [smem:$0x3FB2]  }
0x2c: {  	s7 =	sld [smem:$0x3FB3]  }
0x2d: {  	s3 =	simm.s32 $0x108;
	s8 =	sld [smem:$0x3FB4]  }
0x2e: {  	s3 =	simm.s32 @!p0 $0x1082;
	s9 =	sld [smem:$0x3FB5]  }
0x2f: {  	lr =	sadd.s32 s0, s3;
	s0 =	sld [smem:$0x3FAC]  }
0x30: {  	s3 =	sld [smem:$0x3FAF]  }
0x31: {  	[smem:$0x3FB8] =	sst s10  }
0x32: {  	s10 =	sld [smem:$0x3FB6];
	_ =	sdelay $0x3  }
0x33: {  	p0 =	seq.s32 s10, $0x1;
	s10 =	sld [smem:$0x3FB8];
	_ =	sdelay $0x3  }
0x34: {  	[smem:$0x3FB8] =	sst s10  }
0x35: {  	s10 =	sld [smem:$0x3FB7];
	_ =	sdelay $0x3  }
0x36: {  	p1 =	seq.s32 s10, $0x1;
	s10 =	sld [smem:$0x3FB8];
	_ =	sdelay $0x3  }
0x37: {  	[smem:$0x3FB8] =	sst s10  }
0x38: {  	s10 =	sld [smem:$0x3FB9]  }
0x39: {  	_ = 	snop;
	(pc) =	sbr.ind lr, $3  }
0x3a: {  	_ = 	snop  }
0x3b: {  	_ = 	snop  }
0x3c: {  	p2 =	seq.s32 s10, $0x1;
	s10 =	sld [smem:$0x3FB8]  }
0x3d: {  	_ =	shalt  }
0x3e: {  	_ =	shalt  }
0x3f: {  	_ =	shalt  }
0x40: {  	_ =	shalt  }
0x41: {  	_ =	shalt  }
0x42: {  	_ =	shalt  }
0x43: {  	_ =	shalt  }
0x44: {  	_ =	shalt  }
0x45: {  	_ =	shalt  }
0x46: {  	_ =	shalt  }
0x47: {  	_ =	shalt  }
0x48: {  	_ =	shalt  }
0x49: {  	_ =	shalt  }
0x4a: {  	_ =	shalt  }
0x4b: {  	_ =	shalt  }
0x4c: {  	_ =	shalt  }
0x4d: {  	_ =	shalt  }
0x4e: {  	_ =	shalt  }
0x4f: {  	_ =	shalt  }
0x50: {  	_ =	shalt  }
0x51: {  	_ =	shalt  }
0x52: {  	_ =	shalt  }
0x53: {  	_ =	shalt  }
0x54: {  	_ =	shalt  }
0x55: {  	_ =	shalt  }
0x56: {  	_ =	shalt  }
0x57: {  	_ =	shalt  }
0x58: {  	_ =	shalt  }
0x59: {  	_ =	shalt  }
0x5a: {  	_ =	shalt  }
0x5b: {  	_ =	shalt  }
0x5c: {  	_ =	shalt  }
0x5d: {  	_ =	shalt  }
0x5e: {  	_ =	shalt  }
0x5f: {  	_ =	shalt  }
0x60: {  	_ =	shalt  }
0x61: {  	_ =	shalt  }
0x62: {  	_ =	shalt  }
0x63: {  	_ =	shalt  }
0x64: {  	_ =	shalt  }
0x65: {  	_ =	shalt  }
0x66: {  	_ =	shalt  }
0x67: {  	_ =	shalt  }
0x68: {  	_ =	shalt  }
0x69: {  	_ =	shalt  }
0x6a: {  	_ =	shalt  }
0x6b: {  	_ =	shalt  }
0x6c: {  	_ =	shalt  }
0x6d: {  	_ =	shalt  }
0x6e: {  	_ =	shalt  }
0x6f: {  	_ =	shalt  }
0x70: {  	_ =	shalt  }
0x71: {  	_ =	shalt  }
0x72: {  	_ =	shalt  }
0x73: {  	_ =	shalt  }
0x74: {  	_ =	shalt  }
0x75: {  	_ =	shalt  }
0x76: {  	_ =	shalt  }
0x77: {  	_ =	shalt  }
0x78: {  	_ =	shalt  }
0x79: {  	_ =	shalt  }
0x7a: {  	_ =	shalt  }
0x7b: {  	_ =	shalt  }
0x7c: {  	_ =	shalt  }
0x7d: {  	_ =	shalt  }
0x7e: {  	_ =	shalt  }
0x7f: {  	_ =	shalt  }
0x80: {  	_ =	shalt  }
0x81: {  	_ =	shalt  }
0x82: {  	_ =	shalt  }
0x83: {  	_ =	shalt  }
0x84: {  	_ =	shalt  }
0x85: {  	_ =	shalt  }
0x86: {  	_ =	shalt  }
0x87: {  	_ =	shalt  }
.Lfunc_end0:
.L_simem_size_0:
called_computation.1_lowered:
.L_overlay_start_0:
0x88: {  	s2 =	sld [smem:$0x3FD9]  }
0x89: {  	s3 =	sld [smem:$0x3FFE];
	_ =	sdelay $0x1  }
0x8a: {  	s1 =	srdreg.scid  }
0x8b: {  	s0 =	sand.u32 $0x1, s1  }
0x8c: {  	s17 =	sshll.u32 s0, $0xA;
	s2 =	sadd.s32 s3, s2  }
0x8d: {  	s2 =	sadd.s32 s2, s17  }
0x8e: {  	[smem:$0x3FC4] =	sst s2  }
0x8f: {  	_ = 	snop  }
0x90: {  	s2 =	sld [smem:$0x3FD0];
	(tm) =	ssettm $0x1  }
0x91: {  	s18 =	sld [smem:$0x3FFB];
	_ =	sdelay $0x3  }
0x92: {  	_ =	strace s18  }
0x93: {  	s3 =	sld [smem:$0x3FFC];
	_ =	sdelay $0x3  }
0x94: {  	_ =	strace s3  }
0x95: {  	s3 =	sld [smem:$0x3FFD];
	_ =	sdelay $0x3  }
0x96: {  	_ =	strace s3  }
0x97: {  	_ =	strace $0x8FFFFFFF  }
0x98: {  	s19 =	sld [smem:$0x3FDB];
	_ =	sdelay $0x1  }
0x99: {  	s4 =	simm.s32 $_scs_section_size  }
0x9a: {  	s5 =	simm.s32 $_size__tile_overlayer_lowered;
	s6 =	simm.s32 $_tile_overlayer_lowered  }
0x9b: {  	s22 =	simm.s32 $0x1BFF;
	s21 =	sshll.u32 s6, $0x1;
	s3 =	sadd.s32 s4, s19  }
0x9c: {  	s7 =	simm.s32 $0x0;
	s20 =	sshll.u32 s5, $0x1;
	s5 =	sadd.s32 s21, s3  }
0x9d: {  	[timem:s7], [sflag:s22] =	dma.local [hbm:s5], s20  }
0x9e: {  	_ =	swait.ge [sflag:s22], s20  }
0x9f: {  	s4 =	ssub.s32 $0x0, s20;
	[sflag:s22] =	ssyncset.done $0x0  }
0xa0: {  	[sflag:s22] =	ssyncadd.s32 s4;
	_ =	sdelay $0x1  }
0xa1: {  	s23 =	simm.s32 $0x1B8B  }
0xa2: {  	_ =	swait.ge [sflag:s23], $0x1  }
0xa3: {  	[sflag:s23] =	ssyncset.done $0x0  }
0xa4: {  	s25 =	simm.s32 $0x1B8E;
	s24 =	sld [smem:$0x3FFE];
	[sflag:s23] =	ssyncadd.s32 $0xFFFFFFFF  }
0xa5: {  	s26 =	simm.s32 $execute0_lowered;
	[smem:$0x3FD2] =	sst s25  }
0xa6: {  	s5 =	sshll.u32 s26, $0x1;
	_ =	strace $0x80000049;
	[dreg:$0x1] =	wrdreg $0xFFFFFFFF  }
0xa7: {  	s28 =	simm.s32 $_size_execute0_lowered;
	s3 =	sadd.s32 s3, s5;
	[dreg:$0x0] =	wrdreg $0x0  }
0xa8: {  	s5 =	sshll.u32 s28, $0x1;
	[dreg:$0x2] =	wrdreg s3  }
0xa9: {  	[dreg:$0x3] =	wrdreg s5  }
0xaa: {  	[dreg:$0x4] =	wrdreg $0xC0  }
0xab: {  	_ =	task [dreg:s7], $0x5FFFF  }
0xac: {  	[dreg:$0x1] =	wrdreg $0xFFFFFFFF  }
0xad: {  	[dreg:$0x0] =	wrdreg $0x60  }
0xae: {  	[dreg:$0x2] =	wrdreg s24  }
0xaf: {  	[dreg:$0x3] =	wrdreg s2  }
0xb0: {  	[dreg:$0x4] =	wrdreg $0x41000  }
0xb1: {  	[dreg:$0x5] =	wrdreg $0x9  }
0xb2: {  	_ =	task.clear_ibuf [dreg:s7], $0x6FFFF;
	_ =	strace $0x90000049  }
0xb3: {  	s29 =	simm.s32 $0x9;
	_ =	strace $0x8000004B  }
0xb4: {  	_ =	swait.ge [sflag:s29], $0x1  }
0xb5: {  	[sflag:s29] =	ssyncadd.s32 $0xFFFFFFFF  }
0xb6: {  	_ =	strace $0x9000004B  }
0xb7: {  	_ =	sfence  }
0xb8: {  	s30 =	sld [smem:$0x0];
	_ =	sdelay $0x2  }
0xb9: {  	s31 =	sshll.u32 s1, $0xD;
	s1 =	sshrl.u32 s1, $0x2  }
0xba: {  	s3 =	sand.u32 $0x4000, s31;
	s1 =	sadd.s32 s1, s30  }
0xbb: {  	s0 =	sor.u32 s3, s0;
	s1 =	sshll.u32 s1, $0x11  }
0xbc: {  	s0 =	sor.u32 s1, s0  }
0xbd: {  	s0 =	sadd.s32 $0x8F2B, s0  }
0xbe: {  	[sflag:s0] =	ssyncadd.remote.s32 $0x1  }
0xbf: {  	_ =	sfence.sel $0xFFFF  }
0xc0: {  	[dreg:$0x0] =	wrdreg $0xFFFFFFFF;
	(pc) =	sbr.abs _section_cstart, $3  }
0xc1: {  	[dreg:$0x1] =	wrdreg $0xFFFFFFFF  }
0xc2: {  	_ =	task.clear_ibuf [dreg:s7], $0x2FFFF;
	_ =	strace $0x9FFFFFFF  }
0xc3: {  	(tm) =	ssettm $0x7FFFFFFF  }
tec
execute0_lowered:
.L_overlay_start_1:
0x0: {  	(tag) =	ssettag $0x1  }
0x1: {  	s5 =	rddreg [dreg:$0x0]  }
0x2: {  	s8 =	rddreg [dreg:$0x1]  }
0x3: {  	s1 =	rddreg [dreg:$0x2]  }
0x4: {  	s3 =	srdreg.scid;
	s0 =	rddreg [dreg:$0x3];
	s2 =	simm.s32 $0x0  }
0x5: {  	s6 =	sand.u32 $0x1, s3;
	[smem:$0x7FF] =	sst s2  }
0x6: {  	s3 =	stileid.u32;
	s9 =	smul.u32 $0x5000, s6  }
0x7: {  	s4 =	sadd.s32 $0x29200, s5;
	s13 =	sadd.s32 $0x1A00, s5;
	s7 =	smul.u32 $0x27800, s6  }
0x8: {  	_ =	strace $0x8000004A;
	s10 =	ssub.s32 $0x2, s6;
	s11 =	smul.u32 $0x4F000, s3  }
0x9: {  	p0 =	seq.s32 s6, $0x1;
	s15 =	smul.u32 $0x2780, s3;
	s6 =	smov.u32 s4  }
0xa: {  	s29 =	smul.u32 $0x500, s3;
	s30 =	sshll.u32 s3, $0x6;
	s14 =	sshrl.u32 s10, $0x1  }
0xb: {  	s6 =	smov.u32 @p0 s13;
	s13 =	simm.s32 $0x100;
	s12 =	sadd.s32 s9, s5  }
0xc: {  	s5 =	sadd.s32 s7, s5;
	s26 =	ssub.s32 s10, s14;
	s28 =	sshrl.u32 s11, $0x2  }
0xd: {  	s6 =	sadd.s32 s6, s15;
	s7 =	sor.u32 $0x1C02, s30;
	s8 =	sadd.s32 s9, s8  }
0xe: {  	s11 =	simm.s32 $0x2;
	s14 =	simm.s32 $0x1;
	s10 =	sadd.s32 s28, s1  }
0xf: {  	s16 =	sadd.s32 $0x82A00, s5;
	s5 =	smax.u32 s26, $0x1;
	s31 =	sadd.s32 s29, s12  }
0x10: {  	s8 =	sadd.s32 s29, s8;
	s12 =	simm.s32 $0x80;
	s9 =	sadd.s32 $0x78A00, s31  }
0x11: {  	s10 =	sshrl.u32 s10, $0x3;
	s15 =	sadd.s32 s15, s16;
	s16 =	simm.s32 $0x0  }
.LBB2_1:
0x12: {  	[spmem:s10], [sflag:s7] =	dma.local [hbm:s6], $0x2780  }
0x13: {  	_ =	swait.ge [sflag:s11], $0x2780  }
0x14: {  	[sflag:s11] =	ssyncset.done $0x0  }
0x15: {  	[sflag:s11] =	ssyncadd.s32 $0xFFFFD880  }
0x16: {  	s17 =	sadd.s32 $0x0, s9;
	[bflag:$0x0] =	sbarrier.arrive $0xFFFF  }
0x17: {  	[tilespmem:s2], [sflag:$0x2] =	stream.linear.gather [hbm4b:s17+s2], $0x80, $0x38;
	[tilespmem:$0x17D00] =	vst v63  }
0x18: {  	_ =	swait.ge [sflag:s11], $0x80  }
0x19: {  	[sflag:s11] =	ssyncset.done $0x0  }
0x1a: {  	s31 =	sadd.s32 $0x0, s8;
	[sflag:s11] =	ssyncadd.s32 $0xFFFFFF80  }
0x1b: {  	[tilespmem:s12], [sflag:$0x2] =	stream.linear.gather [hbm4b:s31+s2], $0x80, $0x38;
	[tilespmem:$0x17D00] =	vst v63  }
0x1c: {  	_ =	swait.ge [sflag:s11], $0x80  }
0x1d: {  	[sflag:s11] =	ssyncset.done $0x0  }
0x1e: {  	[sflag:s11] =	ssyncadd.s32 $0xFFFFFF80  }
0x1f: {  	[tilespmem:s13], [sflag:$0x1] =	stream.indirect.gather [hbm4b:s4+s12], $0x80, s2, s12, $0xb8;
	[tilespmem:$0x17D00] =	vst v63  }
0x20: {  	_ =	swait.ge [sflag:s14], $0x4000  }
0x21: {  	[sflag:s14] =	ssyncset.done $0x0  }
0x22: {  	[sflag:s14] =	ssyncadd.s32 $0xFFFFC000  }
0x23: {  	[spmem:s1] =	stream.indirect.scatter.add.f32 [tilespmem:s13], [sflag:$0x2], $0x80, s12, s12, $0xb8;
	[tilespmem:$0x17D00] =	vst v63  }
0x24: {  	_ =	swait.ge [sflag:s11], $0x4000  }
0x25: {  	s18 =	simm.s32 $0x20;
	s17 =	simm.s32 $0x10;
	[sflag:s11] =	ssyncset.done $0x0  }
.LBB2_2:
0x26: {  	s19 =	sadd.s32 s17, s9  }
0x27: {  	[sflag:s11] =	ssyncadd.s32 $0xFFFFC000;
	s20 =	smov.u32 s18;
	s21 =	sadd.s32 $0x10, s18  }
0x28: {  	[tilespmem:s2], [sflag:$0x2] =	stream.linear.gather [hbm4b:s19+s2], $0x80, $0x38;
	[tilespmem:$0x17D00] =	vst v63  }
0x29: {  	p0 =	sne.s32 s18, $0x4F0;
	_ =	swait.ge [sflag:s11], $0x80  }
0x2a: {  	[sflag:s11] =	ssyncset.done $0x0  }
0x2b: {  	s18 =	sadd.s32 s17, s8;
	s17 =	smov.u32 s20;
	[sflag:s11] =	ssyncadd.s32 $0xFFFFFF80  }
0x2c: {  	[tilespmem:s12], [sflag:$0x2] =	stream.linear.gather [hbm4b:s18+s2], $0x80, $0x38;
	[tilespmem:$0x17D00] =	vst v63  }
0x2d: {  	_ =	swait.ge [sflag:s11], $0x80  }
0x2e: {  	[sflag:s11] =	ssyncset.done $0x0  }
0x2f: {  	[sflag:s11] =	ssyncadd.s32 $0xFFFFFF80  }
0x30: {  	[tilespmem:s13], [sflag:$0x1] =	stream.indirect.gather [hbm4b:s4+s12], $0x80, s2, s12, $0xb8;
	[tilespmem:$0x17D00] =	vst v63  }
0x31: {  	_ =	swait.ge [sflag:s14], $0x4000  }
.Ltmp0:
0x32: {  	[sflag:s14] =	ssyncset.done $0x0;
	(pc) =	sbr.rel @p0 .LBB2_2-.Ltmp0, $4  }
0x33: {  	[sflag:s14] =	ssyncadd.s32 $0xFFFFC000  }
0x34: {  	[spmem:s1] =	stream.indirect.scatter.add.f32 [tilespmem:s13], [sflag:$0x2], $0x80, s12, s12, $0xb8;
	[tilespmem:$0x17D00] =	vst v63  }
0x35: {  	_ =	swait.ge [sflag:s11], $0x4000  }
0x36: {  	s18 =	smov.u32 s21;
	[sflag:s11] =	ssyncset.done $0x0  }
0x37: {  	s18 =	sadd.s32 s17, s9;
	[sflag:s11] =	ssyncadd.s32 $0xFFFFC000  }
0x38: {  	[tilespmem:s2], [sflag:$0x2] =	stream.linear.gather [hbm4b:s18+s2], $0x80, $0x38;
	[tilespmem:$0x17D00] =	vst v63  }
0x39: {  	_ =	swait.ge [sflag:s11], $0x80  }
0x3a: {  	[sflag:s11] =	ssyncset.done $0x0  }
0x3b: {  	s31 =	sadd.s32 s17, s8;
	[sflag:s11] =	ssyncadd.s32 $0xFFFFFF80  }
0x3c: {  	[tilespmem:s12], [sflag:$0x2] =	stream.linear.gather [hbm4b:s31+s2], $0x80, $0x38;
	[tilespmem:$0x17D00] =	vst v63  }
0x3d: {  	_ =	swait.ge [sflag:s11], $0x80  }
0x3e: {  	[sflag:s11] =	ssyncset.done $0x0  }
0x3f: {  	[sflag:s11] =	ssyncadd.s32 $0xFFFFFF80  }
0x40: {  	[tilespmem:s13], [sflag:$0x1] =	stream.indirect.gather [hbm4b:s4+s12], $0x80, s2, s12, $0xb8;
	[tilespmem:$0x17D00] =	vst v63  }
0x41: {  	_ =	swait.ge [sflag:s14], $0x4000  }
0x42: {  	[sflag:s14] =	ssyncset.done $0x0  }
0x43: {  	[sflag:s14] =	ssyncadd.s32 $0xFFFFC000  }
0x44: {  	[spmem:s1] =	stream.indirect.scatter.add.f32 [tilespmem:s13], [sflag:$0x2], $0x80, s12, s12, $0xb8;
	[tilespmem:$0x17D00] =	vst v63  }
0x45: {  	_ =	swait.ge [sflag:s11], $0x4000  }
0x46: {  	s16 =	sadd.s32 $0x1, s16;
	[sflag:s11] =	ssyncset.done $0x0  }
0x47: {  	p0 =	sne.s32 s16, s5;
	[sflag:s11] =	ssyncadd.s32 $0xFFFFC000  }
.Ltmp1:
0x48: {  	[bflag:$0x0] =	sbarrier.arrive $0xFFFF;
	(pc) =	sbr.rel @p0 .LBB2_1-.Ltmp1, $4  }
0x49: {  	[hbm:s15], [sflag:s7] =	dma.local [spmem:s10], $0x2780  }
0x4a: {  	_ =	swait.ge [sflag:s11], $0x2780  }
0x4b: {  	[sflag:s11] =	ssyncset.done $0x0  }
0x4c: {  	[sflag:s11] =	ssyncadd.s32 $0xFFFFD880  }
0x4d: {  	_ =	sfence.sel $0x180000  }
0x4e: {  	[bflag:$0x0] =	sbarrier.arrive $0xFFFF  }
0x4f: {  	p0 =	sne.s32 s3, $0x0;
	_ =	strace $0x9000004A  }
0x50: {  	s0 =	sadd.s32 @!p0 $0x100000, s0;
	[bflag:$0x2] =	sbarrier.arrive $0xFFFF  }
0x51: {  	[sflag:s0] =	ssyncadd.tile.s32 @!p0 $0x1;
	_ =	shalt  }
.Lfunc_end2:
_tile_overlayer_lowered:
.L_overlay_start_2:
0x52: {  	(tag) =	ssettag $0x2  }
0x53: {  	s0 =	rddreg [dreg:$0x0];
	s2 =	stileid.u32  }
0x54: {  	s1 =	rddreg [dreg:$0x1];
	p0 =	sne.s32 s2, $0x0  }
0x55: {  	s3 =	rddreg [dreg:$0x2];
	[bflag:$0x3] =	sbarrier.arrive $0xFFFF;
	s2 =	simm.s32 @!p0 $0x1C02  }
0x56: {  	[timem:s3], [sflag:s2] =	dma.local @!p0 [hbm:s0], s1  }
0x57: {  	s0 =	simm.s32 @!p0 $0x2  }
0x58: {  	_ =	swait.ge @!p0 [sflag:s0], s1  }
0x59: {  	s1 =	ssub.s32 @!p0 $0x0, s1;
	[sflag:s0] =	ssyncset.done @!p0 $0x0  }
0x5a: {  	[sflag:s0] =	ssyncadd.s32 @!p0 s1  }
0x5b: {  	[bflag:$0x3] =	sbarrier.arrive $0xFFFF  }
0x5c: {  	_ =	shalt  }

// kernel: kernel.14.cloned.1.call-start
scs
__scs_entry_jumppad:
0x0: {  	(pc) =	sbr.rel $0x88, $3  }
0x1: {  	(tag) =	ssettag $0x0;
	lr =	simm.s32 $0x1  }
0x2: {  	[smem:$0x3F9D] =	sst lr;
	_ =	strace $0xD0000000  }
0x3: {  	_ = 	snop  }
0x4: {  	_ = 	snop  }
0x5: {  	_ = 	snop  }
0x6: {  	_ = 	snop  }
0x7: {  	_ = 	snop  }
__scs_overlays_trampoline_lowered:
0x8: {  	[smem:$0x3FAC] =	sst s0  }
0x9: {  	[smem:$0x3FAD] =	sst s1  }
0xa: {  	[smem:$0x3FAE] =	sst s2  }
0xb: {  	[smem:$0x3FAF] =	sst s3  }
0xc: {  	[smem:$0x3FB0] =	sst s4  }
0xd: {  	[smem:$0x3FB1] =	sst s5  }
0xe: {  	[smem:$0x3FB2] =	sst s6  }
0xf: {  	[smem:$0x3FB3] =	sst s7  }
0x10: {  	[smem:$0x3FB4] =	sst s8  }
0x11: {  	[smem:$0x3FB5] =	sst s9;
	s0 =	simm.s32 @!p0 $0x0  }
0x12: {  	s1 =	sld [smem:$0x3F9B];
	s0 =	simm.s32 @p0 $0x1  }
0x13: {  	[smem:$0x3FB6] =	sst s0;
	s0 =	simm.s32 @!p1 $0x0  }
0x14: {  	s2 =	sld [smem:$0x3F9A];
	s0 =	simm.s32 @p1 $0x1  }
0x15: {  	[smem:$0x3FB7] =	sst s0;
	s0 =	simm.s32 @!p2 $0x0  }
0x16: {  	s3 =	sld [smem:$0x3FDB];
	s0 =	simm.s32 @p2 $0x1  }
0x17: {  	s4 =	simm.s32 $0x1BF5;
	[smem:$0x3FB9] =	sst s0  }
0x18: {  	s0 =	sld [smem:$0x3F9C];
	_ =	swait.ge [sflag:s4], $0x0  }
0x19: {  	s7 =	sld [smem:$0x3F9D]  }
0x1a: {  	s8 =	sadd.s32 $0xFFFFE003, lr  }
0x1b: {  	s9 =	sadd.s32 $0xFFFFFEF7, lr;
	s5 =	simm.s32 $0xFFFFFFFF;
	p2 =	slt.u32 s8, $0xFFFFF086  }
0x1c: {  	p1 =	slt.u32 s9, $0xF7A;
	s5 =	simm.s32 @!p2 $0x0  }
0x1d: {  	s5 =	simm.s32 @p1 $0x1;
	p0 =	seq.s32 s7, s2  }
0x1e: {  	s7 =	smul.u32 @!p0 $0xF7A, s2;
	p2 =	seq.s32 @!p0 s5, $0x0  }
0x1f: {  	s9 =	smul.u32 $0xF7A, s1;
	s8 =	simm.s32 @!p0 $0x1BF5;
	p2 =	por !p2, p0  }
0x20: {  	[sflag:s8] =	ssyncset.s32 @!p0 $0xFFFFF086;
	s6 =	sadd.s32 @!p0 s3, s7;
	s7 =	simm.s32 @!p0 $0x108  }
0x21: {  	s3 =	sadd.s32 s3, s9;
	s6 =	sadd.s32 @!p0 $0x88, s6;
	s7 =	simm.s32 @p2 $0x1082  }
0x22: {  	[simem:s7], [sflag:s8] =	dma.local @!p0 [hbm:s6], $0xF7A  }
0x23: {  	s9 =	sor.u32 $0xD0000000, s2;
	s6 =	simm.s32 $0x108;
	_ =	swait.ge @!p0 [sflag:s8], $0x0  }
0x24: {  	s3 =	sadd.s32 $0x88, s3;
	s6 =	simm.s32 @!p1 $0x1082;
	[sflag:s4] =	ssyncset.s32 $0xFFFFF086  }
0x25: {  	[simem:s6], [sflag:s4] =	dma.local [hbm:s3], $0xF7A  }
0x26: {  	[smem:$0x3F9D] =	sst s1;
	(tag) =	ssettag s2;
	_ =	strace s9  }
0x27: {  	s1 =	sld [smem:$0x3FAD]  }
0x28: {  	s2 =	sld [smem:$0x3FAE]  }
0x29: {  	s4 =	sld [smem:$0x3FB0]  }
0x2a: {  	p0 =	seq.s32 s5, $0x0;
	s5 =	sld [smem:$0x3FB1]  }
0x2b: {  	s6 =	sld [smem:$0x3FB2]  }
0x2c: {  	s7 =	sld [smem:$0x3FB3]  }
0x2d: {  	s3 =	simm.s32 $0x108;
	s8 =	sld [smem:$0x3FB4]  }
0x2e: {  	s3 =	simm.s32 @!p0 $0x1082;
	s9 =	sld [smem:$0x3FB5]  }
0x2f: {  	lr =	sadd.s32 s0, s3;
	s0 =	sld [smem:$0x3FAC]  }
0x30: {  	s3 =	sld [smem:$0x3FAF]  }
0x31: {  	[smem:$0x3FB8] =	sst s10  }
0x32: {  	s10 =	sld [smem:$0x3FB6];
	_ =	sdelay $0x3  }
0x33: {  	p0 =	seq.s32 s10, $0x1;
	s10 =	sld [smem:$0x3FB8];
	_ =	sdelay $0x3  }
0x34: {  	[smem:$0x3FB8] =	sst s10  }
0x35: {  	s10 =	sld [smem:$0x3FB7];
	_ =	sdelay $0x3  }
0x36: {  	p1 =	seq.s32 s10, $0x1;
	s10 =	sld [smem:$0x3FB8];
	_ =	sdelay $0x3  }
0x37: {  	[smem:$0x3FB8] =	sst s10  }
0x38: {  	s10 =	sld [smem:$0x3FB9]  }
0x39: {  	_ = 	snop;
	(pc) =	sbr.ind lr, $3  }
0x3a: {  	_ = 	snop  }
0x3b: {  	_ = 	snop  }
0x3c: {  	p2 =	seq.s32 s10, $0x1;
	s10 =	sld [smem:$0x3FB8]  }
0x3d: {  	_ =	shalt  }
0x3e: {  	_ =	shalt  }
0x3f: {  	_ =	shalt  }
0x40: {  	_ =	shalt  }
0x41: {  	_ =	shalt  }
0x42: {  	_ =	shalt  }
0x43: {  	_ =	shalt  }
0x44: {  	_ =	shalt  }
0x45: {  	_ =	shalt  }
0x46: {  	_ =	shalt  }
0x47: {  	_ =	shalt  }
0x48: {  	_ =	shalt  }
0x49: {  	_ =	shalt  }
0x4a: {  	_ =	shalt  }
0x4b: {  	_ =	shalt  }
0x4c: {  	_ =	shalt  }
0x4d: {  	_ =	shalt  }
0x4e: {  	_ =	shalt  }
0x4f: {  	_ =	shalt  }
0x50: {  	_ =	shalt  }
0x51: {  	_ =	shalt  }
0x52: {  	_ =	shalt  }
0x53: {  	_ =	shalt  }
0x54: {  	_ =	shalt  }
0x55: {  	_ =	shalt  }
0x56: {  	_ =	shalt  }
0x57: {  	_ =	shalt  }
0x58: {  	_ =	shalt  }
0x59: {  	_ =	shalt  }
0x5a: {  	_ =	shalt  }
0x5b: {  	_ =	shalt  }
0x5c: {  	_ =	shalt  }
0x5d: {  	_ =	shalt  }
0x5e: {  	_ =	shalt  }
0x5f: {  	_ =	shalt  }
0x60: {  	_ =	shalt  }
0x61: {  	_ =	shalt  }
0x62: {  	_ =	shalt  }
0x63: {  	_ =	shalt  }
0x64: {  	_ =	shalt  }
0x65: {  	_ =	shalt  }
0x66: {  	_ =	shalt  }
0x67: {  	_ =	shalt  }
0x68: {  	_ =	shalt  }
0x69: {  	_ =	shalt  }
0x6a: {  	_ =	shalt  }
0x6b: {  	_ =	shalt  }
0x6c: {  	_ =	shalt  }
0x6d: {  	_ =	shalt  }
0x6e: {  	_ =	shalt  }
0x6f: {  	_ =	shalt  }
0x70: {  	_ =	shalt  }
0x71: {  	_ =	shalt  }
0x72: {  	_ =	shalt  }
0x73: {  	_ =	shalt  }
0x74: {  	_ =	shalt  }
0x75: {  	_ =	shalt  }
0x76: {  	_ =	shalt  }
0x77: {  	_ =	shalt  }
0x78: {  	_ =	shalt  }
0x79: {  	_ =	shalt  }
0x7a: {  	_ =	shalt  }
0x7b: {  	_ =	shalt  }
0x7c: {  	_ =	shalt  }
0x7d: {  	_ =	shalt  }
0x7e: {  	_ =	shalt  }
0x7f: {  	_ =	shalt  }
0x80: {  	_ =	shalt  }
0x81: {  	_ =	shalt  }
0x82: {  	_ =	shalt  }
0x83: {  	_ =	shalt  }
0x84: {  	_ =	shalt  }
0x85: {  	_ =	shalt  }
0x86: {  	_ =	shalt  }
0x87: {  	_ =	shalt  }
.Lfunc_end0:
.L_simem_size_0:
called_computation.2_lowered:
.L_overlay_start_0:
0x88: {  	s2 =	sld [smem:$0x3FD9]  }
0x89: {  	s3 =	sld [smem:$0x3FFE];
	_ =	sdelay $0x1  }
0x8a: {  	s1 =	srdreg.scid  }
0x8b: {  	s0 =	sand.u32 $0x1, s1  }
0x8c: {  	s17 =	sshll.u32 s0, $0xA;
	s2 =	sadd.s32 s3, s2  }
0x8d: {  	s2 =	sadd.s32 s2, s17  }
0x8e: {  	[smem:$0x3FC4] =	sst s2  }
0x8f: {  	_ = 	snop  }
0x90: {  	s2 =	sld [smem:$0x3FD0];
	(tm) =	ssettm $0x1  }
0x91: {  	s18 =	sld [smem:$0x3FFB];
	_ =	sdelay $0x3  }
0x92: {  	_ =	strace s18  }
0x93: {  	s3 =	sld [smem:$0x3FFC];
	_ =	sdelay $0x3  }
0x94: {  	_ =	strace s3  }
0x95: {  	s3 =	sld [smem:$0x3FFD];
	_ =	sdelay $0x3  }
0x96: {  	_ =	strace s3  }
0x97: {  	_ =	strace $0x8FFFFFFF  }
0x98: {  	s19 =	sld [smem:$0x3FDB];
	_ =	sdelay $0x1  }
0x99: {  	s4 =	simm.s32 $_scs_section_size  }
0x9a: {  	s5 =	simm.s32 $_size__tile_overlayer_lowered;
	s6 =	simm.s32 $_tile_overlayer_lowered  }
0x9b: {  	s22 =	simm.s32 $0x1BFF;
	s21 =	sshll.u32 s6, $0x1;
	s3 =	sadd.s32 s4, s19  }
0x9c: {  	s7 =	simm.s32 $0x0;
	s20 =	sshll.u32 s5, $0x1;
	s5 =	sadd.s32 s21, s3  }
0x9d: {  	[timem:s7], [sflag:s22] =	dma.local [hbm:s5], s20  }
0x9e: {  	_ =	swait.ge [sflag:s22], s20  }
0x9f: {  	s4 =	ssub.s32 $0x0, s20;
	[sflag:s22] =	ssyncset.done $0x0  }
0xa0: {  	[sflag:s22] =	ssyncadd.s32 s4;
	_ =	sdelay $0x1  }
0xa1: {  	s23 =	simm.s32 $0x1B8B  }
0xa2: {  	_ =	swait.ge [sflag:s23], $0x1  }
0xa3: {  	[sflag:s23] =	ssyncset.done $0x0  }
0xa4: {  	s25 =	simm.s32 $0x1B8E;
	s24 =	sld [smem:$0x3FFE];
	[sflag:s23] =	ssyncadd.s32 $0xFFFFFFFF  }
0xa5: {  	s26 =	simm.s32 $execute0_lowered;
	[smem:$0x3FD2] =	sst s25  }
0xa6: {  	s5 =	sshll.u32 s26, $0x1;
	_ =	strace $0x8000004C;
	[dreg:$0x1] =	wrdreg $0xFFFFFFFF  }
0xa7: {  	s28 =	simm.s32 $_size_execute0_lowered;
	s3 =	sadd.s32 s3, s5;
	[dreg:$0x0] =	wrdreg $0x0  }
0xa8: {  	s5 =	sshll.u32 s28, $0x1;
	[dreg:$0x2] =	wrdreg s3  }
0xa9: {  	[dreg:$0x3] =	wrdreg s5  }
0xaa: {  	[dreg:$0x4] =	wrdreg $0xC0  }
0xab: {  	_ =	task [dreg:s7], $0x5FFFF  }
0xac: {  	[dreg:$0x1] =	wrdreg $0xFFFFFFFF  }
0xad: {  	[dreg:$0x0] =	wrdreg $0x60  }
0xae: {  	[dreg:$0x2] =	wrdreg s24  }
0xaf: {  	[dreg:$0x3] =	wrdreg s2  }
0xb0: {  	[dreg:$0x4] =	wrdreg $0x41000  }
0xb1: {  	[dreg:$0x5] =	wrdreg $0x9  }
0xb2: {  	_ =	task.clear_ibuf [dreg:s7], $0x6FFFF;
	_ =	strace $0x9000004C  }
0xb3: {  	s29 =	simm.s32 $0x9;
	_ =	strace $0x8000004E  }
0xb4: {  	_ =	swait.ge [sflag:s29], $0x1  }
0xb5: {  	[sflag:s29] =	ssyncadd.s32 $0xFFFFFFFF  }
0xb6: {  	_ =	strace $0x9000004E  }
0xb7: {  	_ =	sfence  }
0xb8: {  	s30 =	sld [smem:$0x0];
	_ =	sdelay $0x2  }
0xb9: {  	s31 =	sshll.u32 s1, $0xD;
	s1 =	sshrl.u32 s1, $0x2  }
0xba: {  	s3 =	sand.u32 $0x4000, s31;
	s1 =	sadd.s32 s1, s30  }
0xbb: {  	s0 =	sor.u32 s3, s0;
	s1 =	sshll.u32 s1, $0x11  }
0xbc: {  	s0 =	sor.u32 s1, s0  }
0xbd: {  	s0 =	sadd.s32 $0x8F2B, s0  }
0xbe: {  	[sflag:s0] =	ssyncadd.remote.s32 $0x1  }
0xbf: {  	_ =	sfence.sel $0xFFFF  }
0xc0: {  	[dreg:$0x0] =	wrdreg $0xFFFFFFFF;
	(pc) =	sbr.abs _section_cstart, $3  }
0xc1: {  	[dreg:$0x1] =	wrdreg $0xFFFFFFFF  }
0xc2: {  	_ =	task.clear_ibuf [dreg:s7], $0x2FFFF;
	_ =	strace $0x9FFFFFFF  }
0xc3: {  	(tm) =	ssettm $0x7FFFFFFF  }
tec
execute0_lowered:
.L_overlay_start_1:
0x0: {  	(tag) =	ssettag $0x1  }
0x1: {  	s5 =	rddreg [dreg:$0x0]  }
0x2: {  	s8 =	rddreg [dreg:$0x1]  }
0x3: {  	s1 =	rddreg [dreg:$0x2]  }
0x4: {  	s3 =	srdreg.scid;
	s0 =	rddreg [dreg:$0x3];
	s2 =	simm.s32 $0x0  }
0x5: {  	s6 =	sand.u32 $0x1, s3;
	[smem:$0x7FF] =	sst s2  }
0x6: {  	s3 =	stileid.u32;
	s9 =	smul.u32 $0x5000, s6  }
0x7: {  	s4 =	sadd.s32 $0x29200, s5;
	s13 =	sadd.s32 $0x1A00, s5;
	s7 =	smul.u32 $0x27800, s6  }
0x8: {  	_ =	strace $0x8000004D;
	s10 =	ssub.s32 $0x2, s6;
	s11 =	smul.u32 $0x4F000, s3  }
0x9: {  	p0 =	seq.s32 s6, $0x1;
	s15 =	smul.u32 $0x2780, s3;
	s6 =	smov.u32 s4  }
0xa: {  	s29 =	smul.u32 $0x500, s3;
	s30 =	sshll.u32 s3, $0x6;
	s14 =	sshrl.u32 s10, $0x1  }
0xb: {  	s6 =	smov.u32 @p0 s13;
	s13 =	simm.s32 $0x100;
	s12 =	sadd.s32 s9, s5  }
0xc: {  	s5 =	sadd.s32 s7, s5;
	s26 =	ssub.s32 s10, s14;
	s28 =	sshrl.u32 s11, $0x2  }
0xd: {  	s6 =	sadd.s32 s6, s15;
	s7 =	sor.u32 $0x1C02, s30;
	s8 =	sadd.s32 s9, s8  }
0xe: {  	s11 =	simm.s32 $0x2;
	s14 =	simm.s32 $0x1;
	s10 =	sadd.s32 s28, s1  }
0xf: {  	s16 =	sadd.s32 $0x82A00, s5;
	s5 =	smax.u32 s26, $0x1;
	s31 =	sadd.s32 s29, s12  }
0x10: {  	s8 =	sadd.s32 s29, s8;
	s12 =	simm.s32 $0x80;
	s9 =	sadd.s32 $0x78A00, s31  }
0x11: {  	s10 =	sshrl.u32 s10, $0x3;
	s15 =	sadd.s32 s15, s16;
	s16 =	simm.s32 $0x0  }
.LBB2_1:
0x12: {  	[spmem:s10], [sflag:s7] =	dma.local [hbm:s6], $0x2780  }
0x13: {  	_ =	swait.ge [sflag:s11], $0x2780  }
0x14: {  	[sflag:s11] =	ssyncset.done $0x0  }
0x15: {  	[sflag:s11] =	ssyncadd.s32 $0xFFFFD880  }
0x16: {  	s17 =	sadd.s32 $0x0, s9;
	[bflag:$0x0] =	sbarrier.arrive $0xFFFF  }
0x17: {  	[tilespmem:s2], [sflag:$0x2] =	stream.linear.gather [hbm4b:s17+s2], $0x80, $0x38;
	[tilespmem:$0x17D00] =	vst v63  }
0x18: {  	_ =	swait.ge [sflag:s11], $0x80  }
0x19: {  	[sflag:s11] =	ssyncset.done $0x0  }
0x1a: {  	s31 =	sadd.s32 $0x0, s8;
	[sflag:s11] =	ssyncadd.s32 $0xFFFFFF80  }
0x1b: {  	[tilespmem:s12], [sflag:$0x2] =	stream.linear.gather [hbm4b:s31+s2], $0x80, $0x38;
	[tilespmem:$0x17D00] =	vst v63  }
0x1c: {  	_ =	swait.ge [sflag:s11], $0x80  }
0x1d: {  	[sflag:s11] =	ssyncset.done $0x0  }
0x1e: {  	[sflag:s11] =	ssyncadd.s32 $0xFFFFFF80  }
0x1f: {  	[tilespmem:s13], [sflag:$0x1] =	stream.indirect.gather [hbm4b:s4+s12], $0x80, s2, s12, $0xb8;
	[tilespmem:$0x17D00] =	vst v63  }
0x20: {  	_ =	swait.ge [sflag:s14], $0x4000  }
0x21: {  	[sflag:s14] =	ssyncset.done $0x0  }
0x22: {  	[sflag:s14] =	ssyncadd.s32 $0xFFFFC000  }
0x23: {  	[spmem:s1] =	stream.indirect.scatter.add.f32 [tilespmem:s13], [sflag:$0x2], $0x80, s12, s12, $0xb8;
	[tilespmem:$0x17D00] =	vst v63  }
0x24: {  	_ =	swait.ge [sflag:s11], $0x4000  }
0x25: {  	s18 =	simm.s32 $0x20;
	s17 =	simm.s32 $0x10;
	[sflag:s11] =	ssyncset.done $0x0  }
.LBB2_2:
0x26: {  	s19 =	sadd.s32 s17, s9  }
0x27: {  	[sflag:s11] =	ssyncadd.s32 $0xFFFFC000;
	s20 =	smov.u32 s18;
	s21 =	sadd.s32 $0x10, s18  }
0x28: {  	[tilespmem:s2], [sflag:$0x2] =	stream.linear.gather [hbm4b:s19+s2], $0x80, $0x38;
	[tilespmem:$0x17D00] =	vst v63  }
0x29: {  	p0 =	sne.s32 s18, $0x4F0;
	_ =	swait.ge [sflag:s11], $0x80  }
0x2a: {  	[sflag:s11] =	ssyncset.done $0x0  }
0x2b: {  	s18 =	sadd.s32 s17, s8;
	s17 =	smov.u32 s20;
	[sflag:s11] =	ssyncadd.s32 $0xFFFFFF80  }
0x2c: {  	[tilespmem:s12], [sflag:$0x2] =	stream.linear.gather [hbm4b:s18+s2], $0x80, $0x38;
	[tilespmem:$0x17D00] =	vst v63  }
0x2d: {  	_ =	swait.ge [sflag:s11], $0x80  }
0x2e: {  	[sflag:s11] =	ssyncset.done $0x0  }
0x2f: {  	[sflag:s11] =	ssyncadd.s32 $0xFFFFFF80  }
0x30: {  	[tilespmem:s13], [sflag:$0x1] =	stream.indirect.gather [hbm4b:s4+s12], $0x80, s2, s12, $0xb8;
	[tilespmem:$0x17D00] =	vst v63  }
0x31: {  	_ =	swait.ge [sflag:s14], $0x4000  }
.Ltmp0:
0x32: {  	[sflag:s14] =	ssyncset.done $0x0;
	(pc) =	sbr.rel @p0 .LBB2_2-.Ltmp0, $4  }
0x33: {  	[sflag:s14] =	ssyncadd.s32 $0xFFFFC000  }
0x34: {  	[spmem:s1] =	stream.indirect.scatter.add.f32 [tilespmem:s13], [sflag:$0x2], $0x80, s12, s12, $0xb8;
	[tilespmem:$0x17D00] =	vst v63  }
0x35: {  	_ =	swait.ge [sflag:s11], $0x4000  }
0x36: {  	s18 =	smov.u32 s21;
	[sflag:s11] =	ssyncset.done $0x0  }
0x37: {  	s18 =	sadd.s32 s17, s9;
	[sflag:s11] =	ssyncadd.s32 $0xFFFFC000  }
0x38: {  	[tilespmem:s2], [sflag:$0x2] =	stream.linear.gather [hbm4b:s18+s2], $0x80, $0x38;
	[tilespmem:$0x17D00] =	vst v63  }
0x39: {  	_ =	swait.ge [sflag:s11], $0x80  }
0x3a: {  	[sflag:s11] =	ssyncset.done $0x0  }
0x3b: {  	s31 =	sadd.s32 s17, s8;
	[sflag:s11] =	ssyncadd.s32 $0xFFFFFF80  }
0x3c: {  	[tilespmem:s12], [sflag:$0x2] =	stream.linear.gather [hbm4b:s31+s2], $0x80, $0x38;
	[tilespmem:$0x17D00] =	vst v63  }
0x3d: {  	_ =	swait.ge [sflag:s11], $0x80  }
0x3e: {  	[sflag:s11] =	ssyncset.done $0x0  }
0x3f: {  	[sflag:s11] =	ssyncadd.s32 $0xFFFFFF80  }
0x40: {  	[tilespmem:s13], [sflag:$0x1] =	stream.indirect.gather [hbm4b:s4+s12], $0x80, s2, s12, $0xb8;
	[tilespmem:$0x17D00] =	vst v63  }
0x41: {  	_ =	swait.ge [sflag:s14], $0x4000  }
0x42: {  	[sflag:s14] =	ssyncset.done $0x0  }
0x43: {  	[sflag:s14] =	ssyncadd.s32 $0xFFFFC000  }
0x44: {  	[spmem:s1] =	stream.indirect.scatter.add.f32 [tilespmem:s13], [sflag:$0x2], $0x80, s12, s12, $0xb8;
	[tilespmem:$0x17D00] =	vst v63  }
0x45: {  	_ =	swait.ge [sflag:s11], $0x4000  }
0x46: {  	s16 =	sadd.s32 $0x1, s16;
	[sflag:s11] =	ssyncset.done $0x0  }
0x47: {  	p0 =	sne.s32 s16, s5;
	[sflag:s11] =	ssyncadd.s32 $0xFFFFC000  }
.Ltmp1:
0x48: {  	[bflag:$0x0] =	sbarrier.arrive $0xFFFF;
	(pc) =	sbr.rel @p0 .LBB2_1-.Ltmp1, $4  }
0x49: {  	[hbm:s15], [sflag:s7] =	dma.local [spmem:s10], $0x2780  }
0x4a: {  	_ =	swait.ge [sflag:s11], $0x2780  }
0x4b: {  	[sflag:s11] =	ssyncset.done $0x0  }
0x4c: {  	[sflag:s11] =	ssyncadd.s32 $0xFFFFD880  }
0x4d: {  	_ =	sfence.sel $0x180000  }
0x4e: {  	[bflag:$0x0] =	sbarrier.arrive $0xFFFF  }
0x4f: {  	p0 =	sne.s32 s3, $0x0;
	_ =	strace $0x9000004D  }
0x50: {  	s0 =	sadd.s32 @!p0 $0x100000, s0;
	[bflag:$0x2] =	sbarrier.arrive $0xFFFF  }
0x51: {  	[sflag:s0] =	ssyncadd.tile.s32 @!p0 $0x1;
	_ =	shalt  }
.Lfunc_end2:
_tile_overlayer_lowered:
.L_overlay_start_2:
0x52: {  	(tag) =	ssettag $0x2  }
0x53: {  	s0 =	rddreg [dreg:$0x0];
	s2 =	stileid.u32  }
0x54: {  	s1 =	rddreg [dreg:$0x1];
	p0 =	sne.s32 s2, $0x0  }
0x55: {  	s3 =	rddreg [dreg:$0x2];
	[bflag:$0x3] =	sbarrier.arrive $0xFFFF;
	s2 =	simm.s32 @!p0 $0x1C02  }
0x56: {  	[timem:s3], [sflag:s2] =	dma.local @!p0 [hbm:s0], s1  }
0x57: {  	s0 =	simm.s32 @!p0 $0x2  }
0x58: {  	_ =	swait.ge @!p0 [sflag:s0], s1  }
0x59: {  	s1 =	ssub.s32 @!p0 $0x0, s1;
	[sflag:s0] =	ssyncset.done @!p0 $0x0  }
0x5a: {  	[sflag:s0] =	ssyncadd.s32 @!p0 s1  }
0x5b: {  	[bflag:$0x3] =	sbarrier.arrive $0xFFFF  }
0x5c: {  	_ =	shalt  }

// kernel: kernel.8.cloned.1.call-start
scs
__scs_entry_jumppad:
0x0: {  	(pc) =	sbr.rel $0x88, $3  }
0x1: {  	(tag) =	ssettag $0x0;
	lr =	simm.s32 $0x1  }
0x2: {  	[smem:$0x3F9D] =	sst lr;
	_ =	strace $0xD0000000  }
0x3: {  	_ = 	snop  }
0x4: {  	_ = 	snop  }
0x5: {  	_ = 	snop  }
0x6: {  	_ = 	snop  }
0x7: {  	_ = 	snop  }
__scs_overlays_trampoline_lowered:
0x8: {  	[smem:$0x3FAC] =	sst s0  }
0x9: {  	[smem:$0x3FAD] =	sst s1  }
0xa: {  	[smem:$0x3FAE] =	sst s2  }
0xb: {  	[smem:$0x3FAF] =	sst s3  }
0xc: {  	[smem:$0x3FB0] =	sst s4  }
0xd: {  	[smem:$0x3FB1] =	sst s5  }
0xe: {  	[smem:$0x3FB2] =	sst s6  }
0xf: {  	[smem:$0x3FB3] =	sst s7  }
0x10: {  	[smem:$0x3FB4] =	sst s8  }
0x11: {  	[smem:$0x3FB5] =	sst s9;
	s0 =	simm.s32 @!p0 $0x0  }
0x12: {  	s1 =	sld [smem:$0x3F9B];
	s0 =	simm.s32 @p0 $0x1  }
0x13: {  	[smem:$0x3FB6] =	sst s0;
	s0 =	simm.s32 @!p1 $0x0  }
0x14: {  	s2 =	sld [smem:$0x3F9A];
	s0 =	simm.s32 @p1 $0x1  }
0x15: {  	[smem:$0x3FB7] =	sst s0;
	s0 =	simm.s32 @!p2 $0x0  }
0x16: {  	s3 =	sld [smem:$0x3FDB];
	s0 =	simm.s32 @p2 $0x1  }
0x17: {  	s4 =	simm.s32 $0x1BF5;
	[smem:$0x3FB9] =	sst s0  }
0x18: {  	s0 =	sld [smem:$0x3F9C];
	_ =	swait.ge [sflag:s4], $0x0  }
0x19: {  	s7 =	sld [smem:$0x3F9D]  }
0x1a: {  	s8 =	sadd.s32 $0xFFFFE003, lr  }
0x1b: {  	s9 =	sadd.s32 $0xFFFFFEF7, lr;
	s5 =	simm.s32 $0xFFFFFFFF;
	p2 =	slt.u32 s8, $0xFFFFF086  }
0x1c: {  	p1 =	slt.u32 s9, $0xF7A;
	s5 =	simm.s32 @!p2 $0x0  }
0x1d: {  	s5 =	simm.s32 @p1 $0x1;
	p0 =	seq.s32 s7, s2  }
0x1e: {  	s7 =	smul.u32 @!p0 $0xF7A, s2;
	p2 =	seq.s32 @!p0 s5, $0x0  }
0x1f: {  	s9 =	smul.u32 $0xF7A, s1;
	s8 =	simm.s32 @!p0 $0x1BF5;
	p2 =	por !p2, p0  }
0x20: {  	[sflag:s8] =	ssyncset.s32 @!p0 $0xFFFFF086;
	s6 =	sadd.s32 @!p0 s3, s7;
	s7 =	simm.s32 @!p0 $0x108  }
0x21: {  	s3 =	sadd.s32 s3, s9;
	s6 =	sadd.s32 @!p0 $0x88, s6;
	s7 =	simm.s32 @p2 $0x1082  }
0x22: {  	[simem:s7], [sflag:s8] =	dma.local @!p0 [hbm:s6], $0xF7A  }
0x23: {  	s9 =	sor.u32 $0xD0000000, s2;
	s6 =	simm.s32 $0x108;
	_ =	swait.ge @!p0 [sflag:s8], $0x0  }
0x24: {  	s3 =	sadd.s32 $0x88, s3;
	s6 =	simm.s32 @!p1 $0x1082;
	[sflag:s4] =	ssyncset.s32 $0xFFFFF086  }
0x25: {  	[simem:s6], [sflag:s4] =	dma.local [hbm:s3], $0xF7A  }
0x26: {  	[smem:$0x3F9D] =	sst s1;
	(tag) =	ssettag s2;
	_ =	strace s9  }
0x27: {  	s1 =	sld [smem:$0x3FAD]  }
0x28: {  	s2 =	sld [smem:$0x3FAE]  }
0x29: {  	s4 =	sld [smem:$0x3FB0]  }
0x2a: {  	p0 =	seq.s32 s5, $0x0;
	s5 =	sld [smem:$0x3FB1]  }
0x2b: {  	s6 =	sld [smem:$0x3FB2]  }
0x2c: {  	s7 =	sld [smem:$0x3FB3]  }
0x2d: {  	s3 =	simm.s32 $0x108;
	s8 =	sld [smem:$0x3FB4]  }
0x2e: {  	s3 =	simm.s32 @!p0 $0x1082;
	s9 =	sld [smem:$0x3FB5]  }
0x2f: {  	lr =	sadd.s32 s0, s3;
	s0 =	sld [smem:$0x3FAC]  }
0x30: {  	s3 =	sld [smem:$0x3FAF]  }
0x31: {  	[smem:$0x3FB8] =	sst s10  }
0x32: {  	s10 =	sld [smem:$0x3FB6];
	_ =	sdelay $0x3  }
0x33: {  	p0 =	seq.s32 s10, $0x1;
	s10 =	sld [smem:$0x3FB8];
	_ =	sdelay $0x3  }
0x34: {  	[smem:$0x3FB8] =	sst s10  }
0x35: {  	s10 =	sld [smem:$0x3FB7];
	_ =	sdelay $0x3  }
0x36: {  	p1 =	seq.s32 s10, $0x1;
	s10 =	sld [smem:$0x3FB8];
	_ =	sdelay $0x3  }
0x37: {  	[smem:$0x3FB8] =	sst s10  }
0x38: {  	s10 =	sld [smem:$0x3FB9]  }
0x39: {  	_ = 	snop;
	(pc) =	sbr.ind lr, $3  }
0x3a: {  	_ = 	snop  }
0x3b: {  	_ = 	snop  }
0x3c: {  	p2 =	seq.s32 s10, $0x1;
	s10 =	sld [smem:$0x3FB8]  }
0x3d: {  	_ =	shalt  }
0x3e: {  	_ =	shalt  }
0x3f: {  	_ =	shalt  }
0x40: {  	_ =	shalt  }
0x41: {  	_ =	shalt  }
0x42: {  	_ =	shalt  }
0x43: {  	_ =	shalt  }
0x44: {  	_ =	shalt  }
0x45: {  	_ =	shalt  }
0x46: {  	_ =	shalt  }
0x47: {  	_ =	shalt  }
0x48: {  	_ =	shalt  }
0x49: {  	_ =	shalt  }
0x4a: {  	_ =	shalt  }
0x4b: {  	_ =	shalt  }
0x4c: {  	_ =	shalt  }
0x4d: {  	_ =	shalt  }
0x4e: {  	_ =	shalt  }
0x4f: {  	_ =	shalt  }
0x50: {  	_ =	shalt  }
0x51: {  	_ =	shalt  }
0x52: {  	_ =	shalt  }
0x53: {  	_ =	shalt  }
0x54: {  	_ =	shalt  }
0x55: {  	_ =	shalt  }
0x56: {  	_ =	shalt  }
0x57: {  	_ =	shalt  }
0x58: {  	_ =	shalt  }
0x59: {  	_ =	shalt  }
0x5a: {  	_ =	shalt  }
0x5b: {  	_ =	shalt  }
0x5c: {  	_ =	shalt  }
0x5d: {  	_ =	shalt  }
0x5e: {  	_ =	shalt  }
0x5f: {  	_ =	shalt  }
0x60: {  	_ =	shalt  }
0x61: {  	_ =	shalt  }
0x62: {  	_ =	shalt  }
0x63: {  	_ =	shalt  }
0x64: {  	_ =	shalt  }
0x65: {  	_ =	shalt  }
0x66: {  	_ =	shalt  }
0x67: {  	_ =	shalt  }
0x68: {  	_ =	shalt  }
0x69: {  	_ =	shalt  }
0x6a: {  	_ =	shalt  }
0x6b: {  	_ =	shalt  }
0x6c: {  	_ =	shalt  }
0x6d: {  	_ =	shalt  }
0x6e: {  	_ =	shalt  }
0x6f: {  	_ =	shalt  }
0x70: {  	_ =	shalt  }
0x71: {  	_ =	shalt  }
0x72: {  	_ =	shalt  }
0x73: {  	_ =	shalt  }
0x74: {  	_ =	shalt  }
0x75: {  	_ =	shalt  }
0x76: {  	_ =	shalt  }
0x77: {  	_ =	shalt  }
0x78: {  	_ =	shalt  }
0x79: {  	_ =	shalt  }
0x7a: {  	_ =	shalt  }
0x7b: {  	_ =	shalt  }
0x7c: {  	_ =	shalt  }
0x7d: {  	_ =	shalt  }
0x7e: {  	_ =	shalt  }
0x7f: {  	_ =	shalt  }
0x80: {  	_ =	shalt  }
0x81: {  	_ =	shalt  }
0x82: {  	_ =	shalt  }
0x83: {  	_ =	shalt  }
0x84: {  	_ =	shalt  }
0x85: {  	_ =	shalt  }
0x86: {  	_ =	shalt  }
0x87: {  	_ =	shalt  }
.Lfunc_end0:
.L_simem_size_0:
called_computation_lowered:
.L_overlay_start_0:
0x88: {  	s2 =	sld [smem:$0x3FD9]  }
0x89: {  	s3 =	sld [smem:$0x3FFE];
	_ =	sdelay $0x1  }
0x8a: {  	s1 =	srdreg.scid  }
0x8b: {  	s0 =	sand.u32 $0x1, s1  }
0x8c: {  	s17 =	sshll.u32 s0, $0xA;
	s2 =	sadd.s32 s3, s2  }
0x8d: {  	s2 =	sadd.s32 s2, s17  }
0x8e: {  	[smem:$0x3FC4] =	sst s2  }
0x8f: {  	_ = 	snop  }
0x90: {  	s2 =	sld [smem:$0x3FD0];
	(tm) =	ssettm $0x1  }
0x91: {  	s18 =	sld [smem:$0x3FFB];
	_ =	sdelay $0x3  }
0x92: {  	_ =	strace s18  }
0x93: {  	s3 =	sld [smem:$0x3FFC];
	_ =	sdelay $0x3  }
0x94: {  	_ =	strace s3  }
0x95: {  	s3 =	sld [smem:$0x3FFD];
	_ =	sdelay $0x3  }
0x96: {  	_ =	strace s3  }
0x97: {  	_ =	strace $0x8FFFFFFF  }
0x98: {  	s19 =	sld [smem:$0x3FDB];
	_ =	sdelay $0x1  }
0x99: {  	s4 =	simm.s32 $_scs_section_size  }
0x9a: {  	s5 =	simm.s32 $_size__tile_overlayer_lowered;
	s6 =	simm.s32 $_tile_overlayer_lowered  }
0x9b: {  	s22 =	simm.s32 $0x1BFF;
	s21 =	sshll.u32 s6, $0x1;
	s3 =	sadd.s32 s4, s19  }
0x9c: {  	s7 =	simm.s32 $0x0;
	s20 =	sshll.u32 s5, $0x1;
	s5 =	sadd.s32 s21, s3  }
0x9d: {  	[timem:s7], [sflag:s22] =	dma.local [hbm:s5], s20  }
0x9e: {  	_ =	swait.ge [sflag:s22], s20  }
0x9f: {  	s4 =	ssub.s32 $0x0, s20;
	[sflag:s22] =	ssyncset.done $0x0  }
0xa0: {  	[sflag:s22] =	ssyncadd.s32 s4;
	_ =	sdelay $0x1  }
0xa1: {  	s23 =	simm.s32 $0x1B8B  }
0xa2: {  	_ =	swait.ge [sflag:s23], $0x1  }
0xa3: {  	[sflag:s23] =	ssyncset.done $0x0  }
0xa4: {  	s25 =	simm.s32 $0x1B8E;
	s24 =	sld [smem:$0x3FFE];
	[sflag:s23] =	ssyncadd.s32 $0xFFFFFFFF  }
0xa5: {  	s26 =	simm.s32 $execute0_lowered;
	[smem:$0x3FD2] =	sst s25  }
0xa6: {  	s5 =	sshll.u32 s26, $0x1;
	_ =	strace $0x80000046;
	[dreg:$0x1] =	wrdreg $0xFFFFFFFF  }
0xa7: {  	s28 =	simm.s32 $_size_execute0_lowered;
	s3 =	sadd.s32 s3, s5;
	[dreg:$0x0] =	wrdreg $0x0  }
0xa8: {  	s5 =	sshll.u32 s28, $0x1;
	[dreg:$0x2] =	wrdreg s3  }
0xa9: {  	[dreg:$0x3] =	wrdreg s5  }
0xaa: {  	[dreg:$0x4] =	wrdreg $0xC0  }
0xab: {  	_ =	task [dreg:s7], $0x5FFFF  }
0xac: {  	[dreg:$0x1] =	wrdreg $0xFFFFFFFF  }
0xad: {  	[dreg:$0x0] =	wrdreg $0x60  }
0xae: {  	[dreg:$0x2] =	wrdreg s2  }
0xaf: {  	[dreg:$0x3] =	wrdreg s24  }
0xb0: {  	[dreg:$0x4] =	wrdreg $0x68000  }
0xb1: {  	[dreg:$0x5] =	wrdreg $0x9  }
0xb2: {  	_ =	task.clear_ibuf [dreg:s7], $0x6FFFF;
	_ =	strace $0x90000046  }
0xb3: {  	s29 =	simm.s32 $0x9;
	_ =	strace $0x80000048  }
0xb4: {  	_ =	swait.ge [sflag:s29], $0x1  }
0xb5: {  	[sflag:s29] =	ssyncadd.s32 $0xFFFFFFFF  }
0xb6: {  	_ =	strace $0x90000048  }
0xb7: {  	_ =	sfence  }
0xb8: {  	s30 =	sld [smem:$0x0];
	_ =	sdelay $0x2  }
0xb9: {  	s31 =	sshll.u32 s1, $0xD;
	s1 =	sshrl.u32 s1, $0x2  }
0xba: {  	s3 =	sand.u32 $0x4000, s31;
	s1 =	sadd.s32 s1, s30  }
0xbb: {  	s0 =	sor.u32 s3, s0;
	s1 =	sshll.u32 s1, $0x11  }
0xbc: {  	s0 =	sor.u32 s1, s0  }
0xbd: {  	s0 =	sadd.s32 $0x8F2B, s0  }
0xbe: {  	[sflag:s0] =	ssyncadd.remote.s32 $0x1  }
0xbf: {  	_ =	sfence.sel $0xFFFF  }
0xc0: {  	[dreg:$0x0] =	wrdreg $0xFFFFFFFF;
	(pc) =	sbr.abs _section_cstart, $3  }
0xc1: {  	[dreg:$0x1] =	wrdreg $0xFFFFFFFF  }
0xc2: {  	_ =	task.clear_ibuf [dreg:s7], $0x2FFFF;
	_ =	strace $0x9FFFFFFF  }
0xc3: {  	(tm) =	ssettm $0x7FFFFFFF  }
tec
execute0_lowered:
.L_overlay_start_1:
0x0: {  	(tag) =	ssettag $0x1  }
0x1: {  	s5 =	rddreg [dreg:$0x0]  }
0x2: {  	s6 =	rddreg [dreg:$0x1]  }
0x3: {  	s2 =	rddreg [dreg:$0x2]  }
0x4: {  	s0 =	rddreg [dreg:$0x3]  }
0x5: {  	s3 =	simm.s32 $0x0;
	s1 =	stileid.u32;
	s4 =	srdreg.scid  }
0x6: {  	s13 =	simm.s32 $0x1;
	[smem:$0x7FF] =	sst s3;
	s14 =	smul.u32 $0x2780, s1  }
0x7: {  	s7 =	sand.u32 $0x1, s4;
	s4 =	sadd.s32 $0x29200, s6;
	s10 =	smul.u32 $0x4F000, s1  }
0x8: {  	s31 =	sshll.u32 s1, $0x6;
	_ =	strace $0x80000047;
	s9 =	sshll.u32 s7, $0x4  }
0x9: {  	s8 =	smul.u32 $0x27800, s7;
	s7 =	ssub.s32 $0x2, s7;
	s9 =	sor.u32 s1, s9  }
0xa: {  	s11 =	sadd.s32 s14, s6;
	s30 =	sshrl.u32 s7, $0x1;
	s10 =	sshrl.u32 s10, $0x2  }
0xb: {  	s9 =	smul.u32 $0x500, s9;
	s8 =	sadd.s32 s8, s6;
	s7 =	ssub.s32 s7, s30  }
0xc: {  	s12 =	sadd.s32 s10, s2;
	s6 =	sadd.s32 $0x1A00, s11;
	s10 =	sor.u32 $0x1C02, s31  }
0xd: {  	s15 =	sadd.s32 $0x29A00, s8;
	s7 =	smax.u32 s7, $0x1;
	s8 =	simm.s32 $0x2  }
0xe: {  	s11 =	sshrl.u32 s12, $0x3;
	s12 =	simm.s32 $0x80;
	s5 =	sadd.s32 s5, s9  }
0xf: {  	s9 =	simm.s32 $0x2800;
	s14 =	sadd.s32 s14, s15;
	s15 =	simm.s32 $0x0  }
.LBB2_1:
0x10: {  	[tilespmem:s3], [sflag:$0x2] =	stream.linear.gather [hbm4b:s5+s3], $0x2800, $0x38;
	[tilespmem:$0x1A400] =	vst v63  }
0x11: {  	_ =	swait.ge [sflag:s8], $0x2800  }
0x12: {  	[sflag:s8] =	ssyncset.done $0x0  }
0x13: {  	[sflag:s8] =	ssyncadd.s32 $0xFFFFD800  }
0x14: {  	[tilespmem:s9], [sflag:$0x2] =	stream.linear.gather [hbm4b:s4+s3], $0x4000, $0x38;
	[tilespmem:$0x1A400] =	vst v63  }
0x15: {  	_ =	swait.ge [sflag:s8], $0x4000  }
0x16: {  	[sflag:s8] =	ssyncset.done $0x0  }
0x17: {  	[sflag:s8] =	ssyncadd.s32 $0xFFFFC000  }
0x18: {  	[spmem:s11], [sflag:s10] =	dma.local [hbm:s6], $0x2780  }
0x19: {  	_ =	swait.ge [sflag:s8], $0x2780  }
0x1a: {  	[sflag:s8] =	ssyncset.done $0x0  }
0x1b: {  	[sflag:s8] =	ssyncadd.s32 $0xFFFFD880  }
0x1c: {  	s16 =	simm.s32 $0x0;
	[bflag:$0x0] =	sbarrier.arrive $0xFFFF  }
0x1d: {  	[spmem:s2] =	stream.indirect.scatter.add.f32 [tilespmem:s9], [sflag:$0x1], $0x80, s16, s12, $0xb8;
	[tilespmem:$0x1A400] =	vst v63  }
0x1e: {  	s24 =	simm.s32 $0x80  }
0x1f: {  	[spmem:s2] =	stream.indirect.scatter.add.f32 [tilespmem:s9], [sflag:$0x1], $0x80, s24, s12, $0xb8;
	[tilespmem:$0x1A400] =	vst v63  }
0x20: {  	s25 =	simm.s32 $0x100  }
0x21: {  	[spmem:s2] =	stream.indirect.scatter.add.f32 [tilespmem:s9], [sflag:$0x1], $0x80, s25, s12, $0xb8;
	[tilespmem:$0x1A400] =	vst v63  }
0x22: {  	s26 =	simm.s32 $0x180  }
0x23: {  	[spmem:s2] =	stream.indirect.scatter.add.f32 [tilespmem:s9], [sflag:$0x1], $0x80, s26, s12, $0xb8;
	[tilespmem:$0x1A400] =	vst v63  }
0x24: {  	s28 =	simm.s32 $0x200  }
0x25: {  	[spmem:s2] =	stream.indirect.scatter.add.f32 [tilespmem:s9], [sflag:$0x1], $0x80, s28, s12, $0xb8;
	[tilespmem:$0x1A400] =	vst v63  }
0x26: {  	s29 =	simm.s32 $0x280  }
0x27: {  	[spmem:s2] =	stream.indirect.scatter.add.f32 [tilespmem:s9], [sflag:$0x1], $0x80, s29, s12, $0xb8;
	[tilespmem:$0x1A400] =	vst v63  }
0x28: {  	s30 =	simm.s32 $0x300  }
0x29: {  	[spmem:s2] =	stream.indirect.scatter.add.f32 [tilespmem:s9], [sflag:$0x1], $0x80, s30, s12, $0xb8;
	[tilespmem:$0x1A400] =	vst v63  }
0x2a: {  	s31 =	simm.s32 $0x380  }
0x2b: {  	[spmem:s2] =	stream.indirect.scatter.add.f32 [tilespmem:s9], [sflag:$0x1], $0x80, s31, s12, $0xb8;
	[tilespmem:$0x1A400] =	vst v63  }
0x2c: {  	_ =	swait.ge [sflag:s13], $0x4000  }
0x2d: {  	[sflag:s13] =	ssyncset.done $0x0  }
0x2e: {  	[sflag:s13] =	ssyncadd.s32 $0xFFFFC000  }
0x2f: {  	_ =	swait.ge [sflag:s13], $0x4000  }
0x30: {  	[sflag:s13] =	ssyncset.done $0x0  }
0x31: {  	[sflag:s13] =	ssyncadd.s32 $0xFFFFC000  }
0x32: {  	_ =	swait.ge [sflag:s13], $0x4000  }
0x33: {  	[sflag:s13] =	ssyncset.done $0x0  }
0x34: {  	[sflag:s13] =	ssyncadd.s32 $0xFFFFC000  }
0x35: {  	_ =	swait.ge [sflag:s13], $0x4000  }
0x36: {  	[sflag:s13] =	ssyncset.done $0x0  }
0x37: {  	[sflag:s13] =	ssyncadd.s32 $0xFFFFC000  }
0x38: {  	_ =	swait.ge [sflag:s13], $0x4000  }
0x39: {  	[sflag:s13] =	ssyncset.done $0x0  }
0x3a: {  	[sflag:s13] =	ssyncadd.s32 $0xFFFFC000  }
0x3b: {  	_ =	swait.ge [sflag:s13], $0x4000  }
0x3c: {  	[sflag:s13] =	ssyncset.done $0x0  }
0x3d: {  	[sflag:s13] =	ssyncadd.s32 $0xFFFFC000  }
0x3e: {  	_ =	swait.ge [sflag:s13], $0x4000  }
0x3f: {  	[sflag:s13] =	ssyncset.done $0x0  }
0x40: {  	[sflag:s13] =	ssyncadd.s32 $0xFFFFC000  }
0x41: {  	_ =	swait.ge [sflag:s13], $0x4000  }
0x42: {  	s18 =	simm.s32 $0x2000;
	s16 =	simm.s32 $0x1000;
	[sflag:s13] =	ssyncset.done $0x0  }
.LBB2_2:
0x43: {  	s19 =	sshra.s32 s16, $0x2  }
0x44: {  	[sflag:s13] =	ssyncadd.s32 $0xFFFFC000;
	s16 =	smov.u32 s18;
	s17 =	sadd.s32 $0x1000, s18  }
0x45: {  	[spmem:s2] =	stream.indirect.scatter.add.f32 [tilespmem:s9], [sflag:$0x1], $0x80, s19, s12, $0xb8;
	[tilespmem:$0x1A400] =	vst v63  }
0x46: {  	p0 =	sne.s32 s18, $0x9000;
	s18 =	sadd.s32 $0x80, s19  }
0x47: {  	[spmem:s2] =	stream.indirect.scatter.add.f32 [tilespmem:s9], [sflag:$0x1], $0x80, s18, s12, $0xb8;
	[tilespmem:$0x1A400] =	vst v63  }
0x48: {  	s18 =	sadd.s32 $0x100, s19  }
0x49: {  	[spmem:s2] =	stream.indirect.scatter.add.f32 [tilespmem:s9], [sflag:$0x1], $0x80, s18, s12, $0xb8;
	[tilespmem:$0x1A400] =	vst v63  }
0x4a: {  	s18 =	sadd.s32 $0x180, s19  }
0x4b: {  	[spmem:s2] =	stream.indirect.scatter.add.f32 [tilespmem:s9], [sflag:$0x1], $0x80, s18, s12, $0xb8;
	[tilespmem:$0x1A400] =	vst v63  }
0x4c: {  	s18 =	sadd.s32 $0x200, s19  }
0x4d: {  	[spmem:s2] =	stream.indirect.scatter.add.f32 [tilespmem:s9], [sflag:$0x1], $0x80, s18, s12, $0xb8;
	[tilespmem:$0x1A400] =	vst v63  }
0x4e: {  	s18 =	sadd.s32 $0x280, s19  }
0x4f: {  	[spmem:s2] =	stream.indirect.scatter.add.f32 [tilespmem:s9], [sflag:$0x1], $0x80, s18, s12, $0xb8;
	[tilespmem:$0x1A400] =	vst v63  }
0x50: {  	s18 =	sadd.s32 $0x300, s19  }
0x51: {  	[spmem:s2] =	stream.indirect.scatter.add.f32 [tilespmem:s9], [sflag:$0x1], $0x80, s18, s12, $0xb8;
	[tilespmem:$0x1A400] =	vst v63  }
0x52: {  	s18 =	sadd.s32 $0x380, s19  }
0x53: {  	[spmem:s2] =	stream.indirect.scatter.add.f32 [tilespmem:s9], [sflag:$0x1], $0x80, s18, s12, $0xb8;
	[tilespmem:$0x1A400] =	vst v63  }
0x54: {  	_ =	swait.ge [sflag:s13], $0x4000  }
0x55: {  	[sflag:s13] =	ssyncset.done $0x0  }
0x56: {  	[sflag:s13] =	ssyncadd.s32 $0xFFFFC000  }
0x57: {  	_ =	swait.ge [sflag:s13], $0x4000  }
0x58: {  	[sflag:s13] =	ssyncset.done $0x0  }
0x59: {  	[sflag:s13] =	ssyncadd.s32 $0xFFFFC000  }
0x5a: {  	_ =	swait.ge [sflag:s13], $0x4000  }
0x5b: {  	[sflag:s13] =	ssyncset.done $0x0  }
0x5c: {  	[sflag:s13] =	ssyncadd.s32 $0xFFFFC000  }
0x5d: {  	_ =	swait.ge [sflag:s13], $0x4000  }
0x5e: {  	[sflag:s13] =	ssyncset.done $0x0  }
0x5f: {  	[sflag:s13] =	ssyncadd.s32 $0xFFFFC000  }
0x60: {  	_ =	swait.ge [sflag:s13], $0x4000  }
0x61: {  	[sflag:s13] =	ssyncset.done $0x0  }
0x62: {  	[sflag:s13] =	ssyncadd.s32 $0xFFFFC000  }
0x63: {  	_ =	swait.ge [sflag:s13], $0x4000  }
0x64: {  	[sflag:s13] =	ssyncset.done $0x0  }
0x65: {  	[sflag:s13] =	ssyncadd.s32 $0xFFFFC000  }
.Ltmp0:
0x66: {  	_ =	swait.ge [sflag:s13], $0x4000;
	(pc) =	sbr.rel @p0 .LBB2_2-.Ltmp0, $4  }
0x67: {  	[sflag:s13] =	ssyncset.done $0x0  }
0x68: {  	[sflag:s13] =	ssyncadd.s32 $0xFFFFC000  }
0x69: {  	_ =	swait.ge [sflag:s13], $0x4000  }
0x6a: {  	s18 =	smov.u32 s17;
	[sflag:s13] =	ssyncset.done $0x0  }
0x6b: {  	s16 =	sshra.s32 s16, $0x2;
	[sflag:s13] =	ssyncadd.s32 $0xFFFFC000  }
0x6c: {  	[spmem:s2] =	stream.indirect.scatter.add.f32 [tilespmem:s9], [sflag:$0x1], $0x80, s16, s12, $0xb8;
	[tilespmem:$0x1A400] =	vst v63  }
0x6d: {  	s17 =	sadd.s32 $0x80, s16  }
0x6e: {  	[spmem:s2] =	stream.indirect.scatter.add.f32 [tilespmem:s9], [sflag:$0x1], $0x80, s17, s12, $0xb8;
	[tilespmem:$0x1A400] =	vst v63  }
0x6f: {  	s26 =	sadd.s32 $0x100, s16  }
0x70: {  	[spmem:s2] =	stream.indirect.scatter.add.f32 [tilespmem:s9], [sflag:$0x1], $0x80, s26, s12, $0xb8;
	[tilespmem:$0x1A400] =	vst v63  }
0x71: {  	s28 =	sadd.s32 $0x180, s16  }
0x72: {  	[spmem:s2] =	stream.indirect.scatter.add.f32 [tilespmem:s9], [sflag:$0x1], $0x80, s28, s12, $0xb8;
	[tilespmem:$0x1A400] =	vst v63  }
0x73: {  	s29 =	sadd.s32 $0x200, s16  }
0x74: {  	[spmem:s2] =	stream.indirect.scatter.add.f32 [tilespmem:s9], [sflag:$0x1], $0x80, s29, s12, $0xb8;
	[tilespmem:$0x1A400] =	vst v63  }
0x75: {  	s30 =	sadd.s32 $0x280, s16  }
0x76: {  	[spmem:s2] =	stream.indirect.scatter.add.f32 [tilespmem:s9], [sflag:$0x1], $0x80, s30, s12, $0xb8;
	[tilespmem:$0x1A400] =	vst v63  }
0x77: {  	s31 =	sadd.s32 $0x300, s16  }
0x78: {  	[spmem:s2] =	stream.indirect.scatter.add.f32 [tilespmem:s9], [sflag:$0x1], $0x80, s31, s12, $0xb8;
	[tilespmem:$0x1A400] =	vst v63  }
0x79: {  	s16 =	sadd.s32 $0x380, s16  }
0x7a: {  	[spmem:s2] =	stream.indirect.scatter.add.f32 [tilespmem:s9], [sflag:$0x1], $0x80, s16, s12, $0xb8;
	[tilespmem:$0x1A400] =	vst v63  }
0x7b: {  	_ =	swait.ge [sflag:s13], $0x4000  }
0x7c: {  	[sflag:s13] =	ssyncset.done $0x0  }
0x7d: {  	[sflag:s13] =	ssyncadd.s32 $0xFFFFC000  }
0x7e: {  	_ =	swait.ge [sflag:s13], $0x4000  }
0x7f: {  	[sflag:s13] =	ssyncset.done $0x0  }
0x80: {  	[sflag:s13] =	ssyncadd.s32 $0xFFFFC000  }
0x81: {  	_ =	swait.ge [sflag:s13], $0x4000  }
0x82: {  	[sflag:s13] =	ssyncset.done $0x0  }
0x83: {  	[sflag:s13] =	ssyncadd.s32 $0xFFFFC000  }
0x84: {  	_ =	swait.ge [sflag:s13], $0x4000  }
0x85: {  	[sflag:s13] =	ssyncset.done $0x0  }
0x86: {  	[sflag:s13] =	ssyncadd.s32 $0xFFFFC000  }
0x87: {  	_ =	swait.ge [sflag:s13], $0x4000  }
0x88: {  	[sflag:s13] =	ssyncset.done $0x0  }
0x89: {  	[sflag:s13] =	ssyncadd.s32 $0xFFFFC000  }
0x8a: {  	_ =	swait.ge [sflag:s13], $0x4000  }
0x8b: {  	[sflag:s13] =	ssyncset.done $0x0  }
0x8c: {  	[sflag:s13] =	ssyncadd.s32 $0xFFFFC000  }
0x8d: {  	_ =	swait.ge [sflag:s13], $0x4000  }
0x8e: {  	[sflag:s13] =	ssyncset.done $0x0  }
0x8f: {  	[sflag:s13] =	ssyncadd.s32 $0xFFFFC000  }
0x90: {  	_ =	swait.ge [sflag:s13], $0x4000  }
0x91: {  	s15 =	sadd.s32 $0x1, s15;
	[sflag:s13] =	ssyncset.done $0x0  }
0x92: {  	p0 =	sne.s32 s15, s7;
	[sflag:s13] =	ssyncadd.s32 $0xFFFFC000  }
.Ltmp1:
0x93: {  	[bflag:$0x0] =	sbarrier.arrive $0xFFFF;
	(pc) =	sbr.rel @p0 .LBB2_1-.Ltmp1, $4  }
0x94: {  	[hbm:s14], [sflag:s10] =	dma.local [spmem:s11], $0x2780  }
0x95: {  	_ =	swait.ge [sflag:s8], $0x2780  }
0x96: {  	[sflag:s8] =	ssyncset.done $0x0  }
0x97: {  	[sflag:s8] =	ssyncadd.s32 $0xFFFFD880  }
0x98: {  	_ =	sfence.sel $0x180000  }
0x99: {  	[bflag:$0x0] =	sbarrier.arrive $0xFFFF  }
0x9a: {  	p0 =	sne.s32 s1, $0x0;
	_ =	strace $0x90000047  }
0x9b: {  	s0 =	sadd.s32 @!p0 $0x100000, s0;
	[bflag:$0x2] =	sbarrier.arrive $0xFFFF  }
0x9c: {  	[sflag:s0] =	ssyncadd.tile.s32 @!p0 $0x1;
	_ =	shalt  }
.Lfunc_end2:
_tile_overlayer_lowered:
.L_overlay_start_2:
0x9d: {  	(tag) =	ssettag $0x2  }
0x9e: {  	s0 =	rddreg [dreg:$0x0];
	s2 =	stileid.u32  }
0x9f: {  	s1 =	rddreg [dreg:$0x1];
	p0 =	sne.s32 s2, $0x0  }
0xa0: {  	s3 =	rddreg [dreg:$0x2];
	[bflag:$0x3] =	sbarrier.arrive $0xFFFF;
	s2 =	simm.s32 @!p0 $0x1C02  }
0xa1: {  	[timem:s3], [sflag:s2] =	dma.local @!p0 [hbm:s0], s1  }
0xa2: {  	s0 =	simm.s32 @!p0 $0x2  }
0xa3: {  	_ =	swait.ge @!p0 [sflag:s0], s1  }
0xa4: {  	s1 =	ssub.s32 @!p0 $0x0, s1;
	[sflag:s0] =	ssyncset.done @!p0 $0x0  }
0xa5: {  	[sflag:s0] =	ssyncadd.s32 @!p0 s1  }
0xa6: {  	[bflag:$0x3] =	sbarrier.arrive $0xFFFF  }
0xa7: {  	_ =	shalt  }

</sc_bundles>
